<compile_context>
chip_gen: v7x
topology: tpu7x:2x2x1
jax: 0.10.2.dev20260603
libtpu: 0.0.44.dev20260713+nightly
codegen_flags: <defaults>
</compile_context>

<pallas_src>
import functools

import jax
import jax.numpy as jnp
from jax import lax
from jax.experimental import pallas as pl
from jax.experimental.pallas import tpu as pltpu
from jax.experimental.pallas import tpu_sc as plsc

_B = 4096
_L = 200
_D = 32
_V = 1000000
_NL = 10
_NW = 32
_BPW = _B // _NW
_C0 = 128
_C1 = _L - _C0
_LP = 208

_CB = 8192
_Q = 1 << 18
_VP = 4 * _Q

_mesh = plsc.VectorSubcoreMesh(core_axis_name="c", subcore_axis_name="s")


def _format_body(in0, in1, in2, in3, out_ref):
    blk = jnp.concatenate(
        [in0[...], in1[...], in2[...], in3[...]], axis=0)
    out_ref[...] = blk.T


def _format_table(tableT):
    q = _Q // _CB
    nbv = (_V - 1) // _CB
    in_specs = [
        pl.BlockSpec((_D, _CB), lambda i, a=a: (0, jnp.minimum(a * q + i, nbv)))
        for a in range(4)
    ]
    return pl.pallas_call(
        _format_body,
        out_shape=jax.ShapeDtypeStruct((_Q, 128), jnp.float32),
        grid=(q,),
        in_specs=in_specs,
        out_specs=pl.BlockSpec((_CB, 128), lambda i: (i, 0)),
    )(tableT, tableT, tableT, tableT)


@functools.partial(
    pl.kernel,
    out_type=jax.ShapeDtypeStruct((_B, _D), jnp.float32),
    mesh=_mesh,
    scratch_types=[
        pltpu.VMEM((_BPW * _L,), jnp.int32),
        pltpu.VMEM((2, _L, _D), jnp.float32),
        pltpu.VMEM((_BPW, _D), jnp.float32),
        pltpu.SemaphoreType.DMA,
        pltpu.SemaphoreType.DMA,
    ],
    compiler_params=pltpu.CompilerParams(
        use_tc_tiling_on_sc=False, needs_layout_passes=False),
)
def _embed_sum(xg_hbm, table_hbm, doc_hbm,
               idx_v, rows_v, doc_v, sem0, sem1):
    wid = lax.axis_index("s") * 2 + lax.axis_index("c")
    base = wid * _BPW
    pltpu.sync_copy(xg_hbm.at[pl.ds(base * _L, _BPW * _L)], idx_v)

    sems = (sem0, sem1)

    def descs(r, p, sem):
        d0 = pltpu.make_async_copy(
            table_hbm.at[idx_v.at[pl.ds(r * _L, _C0)]],
            rows_v.at[p, pl.ds(0, _C0)], sem)
        d1 = pltpu.make_async_copy(
            table_hbm.at[idx_v.at[pl.ds(r * _L + _C0, _C1)]],
            rows_v.at[p, pl.ds(_C0, _C1)], sem)
        return d0, d1

    def issue(r, p):
        d0, d1 = descs(r, p, sems[p])
        d0.start()
        d1.start()

    issue(0, 0)
    issue(1, 1)

    zeros = jnp.zeros((16,), jnp.float32)

    def outer(g, carry):
        for p in range(2):
            r = g * 2 + p
            d0, d1 = descs(r, p, sems[p])
            d0.wait()
            d1.wait()

            def rbody(jj, acc):
                a0, a1, b0, b1 = acc
                for u in range(8):
                    j = jj * 8 + u
                    lo = rows_v[p, j, pl.ds(0, 16)]
                    hi = rows_v[p, j, pl.ds(16, 16)]
                    if u % 2 == 0:
                        a0 = a0 + lo
                        a1 = a1 + hi
                    else:
                        b0 = b0 + lo
                        b1 = b1 + hi
                return (a0, a1, b0, b1)

            a0, a1, b0, b1 = lax.fori_loop(
                0, _L // 8, rbody, (zeros, zeros, zeros, zeros))

            @pl.when(r + 2 < _BPW)
            def _():
                issue(r + 2, p)

            doc_v[r, pl.ds(0, 16)] = a0 + b0
            doc_v[r, pl.ds(16, 16)] = a1 + b1
        return carry

    lax.fori_loop(0, _BPW // 2, outer, 0)
    pltpu.sync_copy(doc_v, doc_hbm.at[pl.ds(base, _BPW)])


def _head_body(doc_ref, w_ref, b_ref, out_ref):
    out_ref[...] = (
        jnp.dot(doc_ref[...], w_ref[...], preferred_element_type=jnp.float32)
        + b_ref[...]
    )


def _head(doc, W, b):
    nblk = 4
    return pl.pallas_call(
        _head_body,
        out_shape=jax.ShapeDtypeStruct((_B, _NL), jnp.float32),
        grid=(nblk,),
        in_specs=[
            pl.BlockSpec((_B // nblk, _D), lambda i: (i, 0)),
            pl.BlockSpec((_D, _NL), lambda i: (0, 0)),
            pl.BlockSpec((1, _NL), lambda i: (0, 0)),
        ],
        out_specs=pl.BlockSpec((_B // nblk, _NL), lambda i: (i, 0)),
    )(doc, W, b.reshape(1, _NL))


def kernel(x, m, table, W, b):
    del m
    x = x.astype(jnp.int32)
    xf = (((x & (_Q - 1)) << 2) | (x >> 18)).reshape(-1)
    t2 = _format_table(table.T)
    doc = _embed_sum(xf, t2.reshape(_VP, _D))
    return _head(doc, W, b)

# --- scband reference (transcript-rebuilt; emitter-appended) ---
"""Pipeline reference for scband-linear-classification-29102698398240 (READ-ONLY COPY).

The authoritative reference and input builder live on the scoring server;
editing this copy changes nothing except your own understanding.
"""

import jax, jax.numpy as jnp
import numpy as np

VOCAB = 1000000
EMBED_DIM = 32
NUM_LABELS = 10
BATCH = 4096
SEQ_LEN = 200


def setup_inputs(seed: int = 0) -> dict:
    key = jax.random.key(seed)
    k_x, k_tab, k_w, k_b = jax.random.split(key, 4)
    x = jax.random.randint(k_x, (BATCH, SEQ_LEN), 0, VOCAB, dtype=jnp.int64) if jax.config.jax_enable_x64 else jax.random.randint(k_x, (BATCH, SEQ_LEN), 0, VOCAB, dtype=jnp.int32)
    m = jnp.ones((BATCH, SEQ_LEN), dtype=jnp.float32)
    table = jax.random.normal(k_tab, (VOCAB, EMBED_DIM), dtype=jnp.float32) * 0.02
    W = jax.random.normal(k_w, (EMBED_DIM, NUM_LABELS), dtype=jnp.float32) * (1.0 / np.sqrt(EMBED_DIM))
    b = jnp.zeros((NUM_LABELS,), dtype=jnp.float32)
    return {"x": x, "m": m, "table": table, "W": W, "b": b}


def reference(x, m, table, W, b):
    # word_embeddings = self.embed_layer(x)  -> gather rows of table
    word_embeddings = jnp.take(table, x, axis=0)          # (B, L, D)
    # doc_embedding = word_embeddings.sum(dim=1)
    doc_embedding = jnp.sum(word_embeddings, axis=1)       # (B, D)
    # predict = self.linear(doc_embedding)
    predict = doc_embedding @ W + b                        # (B, num_labels)
    # original returns (predict, None, None, None); we return the tensor output
    return predict

if __name__ == "__main__":
    import jax
    _d = setup_inputs()
    print(jax.jit(kernel)(*tuple(_d.values())))

</pallas_src>

<mosaic_0001>
#map = affine_map<(d0, d1) -> (0)>
#map1 = affine_map<(d0, d1) -> (0, 0)>
module attributes {stable_mosaic.version = 14 : i64} {
  func.func @_embed_sum(%arg0: i32, %arg1: i32, %arg2: memref<819200xi32, #tpu.memory_space<hbm>>, %arg3: memref<1048576x32xf32, #tpu.memory_space<hbm>>, %arg4: memref<4096x32xf32, #tpu.memory_space<hbm>>, %arg5: memref<25600xi32, #tpu.memory_space<vmem>>, %arg6: memref<2x200x32xf32, #tpu.memory_space<vmem>>, %arg7: memref<128x32xf32, #tpu.memory_space<vmem>>, %arg8: memref<!tpu.dma_semaphore, #tpu.memory_space<semaphore_mem>>, %arg9: memref<!tpu.dma_semaphore, #tpu.memory_space<semaphore_mem>>) attributes {dimension_semantics = [#tpu.dimension_semantics<core_parallel>, #tpu.dimension_semantics<subcore_parallel>], iteration_bounds = array<i64: 2, 16>, scalar_prefetch = 0 : i64, scratch_operands = 5 : i64, tpu.core_type = #tpu.core_type<sc_vector_subcore>, window_params = [{transform_indices = #map}, {transform_indices = #map1}, {transform_indices = #map1}]} {
    %mul3A = arith.constant 2 : i32
    %mul3A_0 = arith.muli %arg1, %mul3A : i32
    %add3A = arith.addi %mul3A_0, %arg0 : i32
    %mul3A_1 = arith.constant 128 : i32
    %mul3A_2 = arith.muli %add3A, %mul3A_1 : i32
    %mul3A_3 = arith.constant 200 : i32
    %mul3A_4 = arith.muli %mul3A_2, %mul3A_3 : i32
    "tpu.region"() ({
      %run_scoped3A = tpu.sem_alloc : memref<!tpu.dma_semaphore, #tpu.memory_space<semaphore_mem>>
      %dma_start3A_50 = tpu.memref_slice %arg2[%mul3A_4] : memref<819200xi32, #tpu.memory_space<hbm>> -> memref<25600xi32, #tpu.memory_space<hbm>>
      %dma_start3A_51 = tpu.memref_slice %arg2[%mul3A_4] : memref<819200xi32, #tpu.memory_space<hbm>> -> memref<25600xi32, #tpu.memory_space<hbm>>
      tpu.enqueue_dma source(%dma_start3A_51 : memref<25600xi32, #tpu.memory_space<hbm>>) target(%arg5 : memref<25600xi32, #tpu.memory_space<vmem>>) target_semaphore(%run_scoped3A : memref<!tpu.dma_semaphore, #tpu.memory_space<semaphore_mem>>)
      %dma_wait3A = tpu.memref_slice %arg2[%mul3A_4] : memref<819200xi32, #tpu.memory_space<hbm>> -> memref<25600xi32, #tpu.memory_space<hbm>>
      %dma_wait3A_52 = tpu.memref_slice %arg2[%mul3A_4] : memref<819200xi32, #tpu.memory_space<hbm>> -> memref<25600xi32, #tpu.memory_space<hbm>>
      tpu.wait_dma2 semaphore(%run_scoped3A : memref<!tpu.dma_semaphore, #tpu.memory_space<semaphore_mem>>) src(%dma_wait3A_52 : memref<25600xi32, #tpu.memory_space<hbm>>) dst(%arg5 : memref<25600xi32, #tpu.memory_space<vmem>>)
      tpu.yield
    }) : () -> ()
    %dma_start3A = arith.constant 0 : i32
    %dma_start3A_5 = arith.constant 0 : i32
    %dma_start3A_6 = arith.constant 0 : i32
    %dma_start3A_7 = tpu.memref_slice %arg6[%dma_start3A, %dma_start3A_5, %dma_start3A_6] : memref<2x200x32xf32, #tpu.memory_space<vmem>> -> memref<1x128x32xf32, #tpu.memory_space<vmem>>
    %dma_start3A_8 = tpu.memref_squeeze %dma_start3A_7 : memref<1x128x32xf32, #tpu.memory_space<vmem>> -> memref<128x32xf32, #tpu.memory_space<vmem>>
    %dma_start3A_9 = arith.constant 0 : i32
    %dma_start3A_10 = tpu.memref_slice %arg5[%dma_start3A_9] : memref<25600xi32, #tpu.memory_space<vmem>> -> memref<128xi32, #tpu.memory_space<vmem>>
    %dma_start3A_11 = arith.constant 0 : i32
    %dma_start3A_12 = arith.constant 0 : i32
    %dma_start3A_13 = tpu.memref_slice %arg3[%dma_start3A_11, %dma_start3A_12] : memref<1048576x32xf32, #tpu.memory_space<hbm>> -> memref<1048576x32xf32, #tpu.memory_space<hbm>>
    tpu.enqueue_indirect_dma source(%dma_start3A_13 : memref<1048576x32xf32, #tpu.memory_space<hbm>>) target(%dma_start3A_8 : memref<128x32xf32, #tpu.memory_space<vmem>>) offsets(%dma_start3A_10 : memref<128xi32, #tpu.memory_space<vmem>>) semaphore(%arg8 : memref<!tpu.dma_semaphore, #tpu.memory_space<semaphore_mem>>)
    %dma_start3A_14 = arith.constant 0 : i32
    %dma_start3A_15 = arith.constant 128 : i32
    %dma_start3A_16 = arith.constant 0 : i32
    %dma_start3A_17 = tpu.memref_slice %arg6[%dma_start3A_14, %dma_start3A_15, %dma_start3A_16] : memref<2x200x32xf32, #tpu.memory_space<vmem>> -> memref<1x72x32xf32, #tpu.memory_space<vmem>>
    %dma_start3A_18 = tpu.memref_squeeze %dma_start3A_17 : memref<1x72x32xf32, #tpu.memory_space<vmem>> -> memref<72x32xf32, #tpu.memory_space<vmem>>
    %dma_start3A_19 = arith.constant 128 : i32
    %dma_start3A_20 = tpu.memref_slice %arg5[%dma_start3A_19] : memref<25600xi32, #tpu.memory_space<vmem>> -> memref<72xi32, #tpu.memory_space<vmem>>
    %dma_start3A_21 = arith.constant 0 : i32
    %dma_start3A_22 = arith.constant 0 : i32
    %dma_start3A_23 = tpu.memref_slice %arg3[%dma_start3A_21, %dma_start3A_22] : memref<1048576x32xf32, #tpu.memory_space<hbm>> -> memref<1048576x32xf32, #tpu.memory_space<hbm>>
    tpu.enqueue_indirect_dma source(%dma_start3A_23 : memref<1048576x32xf32, #tpu.memory_space<hbm>>) target(%dma_start3A_18 : memref<72x32xf32, #tpu.memory_space<vmem>>) offsets(%dma_start3A_20 : memref<72xi32, #tpu.memory_space<vmem>>) semaphore(%arg8 : memref<!tpu.dma_semaphore, #tpu.memory_space<semaphore_mem>>)
    %dma_start3A_24 = arith.constant 1 : i32
    %dma_start3A_25 = arith.constant 0 : i32
    %dma_start3A_26 = arith.constant 0 : i32
    %dma_start3A_27 = tpu.memref_slice %arg6[%dma_start3A_24, %dma_start3A_25, %dma_start3A_26] : memref<2x200x32xf32, #tpu.memory_space<vmem>> -> memref<1x128x32xf32, #tpu.memory_space<vmem>>
    %dma_start3A_28 = tpu.memref_squeeze %dma_start3A_27 : memref<1x128x32xf32, #tpu.memory_space<vmem>> -> memref<128x32xf32, #tpu.memory_space<vmem>>
    %dma_start3A_29 = arith.constant 200 : i32
    %dma_start3A_30 = tpu.memref_slice %arg5[%dma_start3A_29] : memref<25600xi32, #tpu.memory_space<vmem>> -> memref<128xi32, #tpu.memory_space<vmem>>
    %dma_start3A_31 = arith.constant 0 : i32
    %dma_start3A_32 = arith.constant 0 : i32
    %dma_start3A_33 = tpu.memref_slice %arg3[%dma_start3A_31, %dma_start3A_32] : memref<1048576x32xf32, #tpu.memory_space<hbm>> -> memref<1048576x32xf32, #tpu.memory_space<hbm>>
    tpu.enqueue_indirect_dma source(%dma_start3A_33 : memref<1048576x32xf32, #tpu.memory_space<hbm>>) target(%dma_start3A_28 : memref<128x32xf32, #tpu.memory_space<vmem>>) offsets(%dma_start3A_30 : memref<128xi32, #tpu.memory_space<vmem>>) semaphore(%arg9 : memref<!tpu.dma_semaphore, #tpu.memory_space<semaphore_mem>>)
    %dma_start3A_34 = arith.constant 1 : i32
    %dma_start3A_35 = arith.constant 128 : i32
    %dma_start3A_36 = arith.constant 0 : i32
    %dma_start3A_37 = tpu.memref_slice %arg6[%dma_start3A_34, %dma_start3A_35, %dma_start3A_36] : memref<2x200x32xf32, #tpu.memory_space<vmem>> -> memref<1x72x32xf32, #tpu.memory_space<vmem>>
    %dma_start3A_38 = tpu.memref_squeeze %dma_start3A_37 : memref<1x72x32xf32, #tpu.memory_space<vmem>> -> memref<72x32xf32, #tpu.memory_space<vmem>>
    %dma_start3A_39 = arith.constant 328 : i32
    %dma_start3A_40 = tpu.memref_slice %arg5[%dma_start3A_39] : memref<25600xi32, #tpu.memory_space<vmem>> -> memref<72xi32, #tpu.memory_space<vmem>>
    %dma_start3A_41 = arith.constant 0 : i32
    %dma_start3A_42 = arith.constant 0 : i32
    %dma_start3A_43 = tpu.memref_slice %arg3[%dma_start3A_41, %dma_start3A_42] : memref<1048576x32xf32, #tpu.memory_space<hbm>> -> memref<1048576x32xf32, #tpu.memory_space<hbm>>
    tpu.enqueue_indirect_dma source(%dma_start3A_43 : memref<1048576x32xf32, #tpu.memory_space<hbm>>) target(%dma_start3A_38 : memref<72x32xf32, #tpu.memory_space<vmem>>) offsets(%dma_start3A_40 : memref<72xi32, #tpu.memory_space<vmem>>) semaphore(%arg9 : memref<!tpu.dma_semaphore, #tpu.memory_space<semaphore_mem>>)
    %broadcast_in_dim3A = arith.constant 0.000000e+00 : f32
    %broadcast_in_dim3A_44 = vector.broadcast %broadcast_in_dim3A : f32 to vector<16xf32>
    %scan3A = arith.constant 0 : i32
    %scan3A_45 = arith.constant 0 : i32
    %scan3A_46 = arith.constant 64 : i32
    %scan3A_47 = arith.addi %scan3A_45, %scan3A_46 : i32
    %scan3A_48 = arith.constant 1 : i32
    scf.for %scan3A_50 = %scan3A_45 to %scan3A_47 step %scan3A_48  : i32 {
      %mul3A_51 = arith.constant 2 : i32
      %mul3A_52 = arith.muli %scan3A_50, %mul3A_51 : i32
      %add3A_53 = arith.constant 0 : i32
      %add3A_54 = arith.addi %mul3A_52, %add3A_53 : i32
      %mul3A_55 = arith.constant 200 : i32
      %mul3A_56 = arith.muli %add3A_54, %mul3A_55 : i32
      %mul3A_57 = arith.constant 200 : i32
      %mul3A_58 = arith.muli %add3A_54, %mul3A_57 : i32
      %add3A_59 = arith.constant 128 : i32
      %add3A_60 = arith.addi %mul3A_58, %add3A_59 : i32
      %dma_wait3A = arith.constant 0 : i32
      %dma_wait3A_61 = arith.constant 0 : i32
      %dma_wait3A_62 = arith.constant 0 : i32
      %dma_wait3A_63 = tpu.memref_slice %arg6[%dma_wait3A, %dma_wait3A_61, %dma_wait3A_62] : memref<2x200x32xf32, #tpu.memory_space<vmem>> -> memref<1x128x32xf32, #tpu.memory_space<vmem>>
      %dma_wait3A_64 = tpu.memref_squeeze %dma_wait3A_63 : memref<1x128x32xf32, #tpu.memory_space<vmem>> -> memref<128x32xf32, #tpu.memory_space<vmem>>
      %dma_wait3A_65 = tpu.memref_slice %arg5[%mul3A_56] : memref<25600xi32, #tpu.memory_space<vmem>> -> memref<128xi32, #tpu.memory_space<vmem>>
      %dma_wait3A_66 = arith.constant 0 : i32
      %dma_wait3A_67 = arith.constant 0 : i32
      %dma_wait3A_68 = tpu.memref_slice %arg3[%dma_wait3A_66, %dma_wait3A_67] : memref<1048576x32xf32, #tpu.memory_space<hbm>> -> memref<1048576x32xf32, #tpu.memory_space<hbm>>
      tpu.wait_indirect_dma semaphore(%arg8 : memref<!tpu.dma_semaphore, #tpu.memory_space<semaphore_mem>>) src(%dma_wait3A_68 : memref<1048576x32xf32, #tpu.memory_space<hbm>>) dst(%dma_wait3A_64 : memref<128x32xf32, #tpu.memory_space<vmem>>)
      %dma_wait3A_69 = arith.constant 0 : i32
      %dma_wait3A_70 = arith.constant 128 : i32
      %dma_wait3A_71 = arith.constant 0 : i32
      %dma_wait3A_72 = tpu.memref_slice %arg6[%dma_wait3A_69, %dma_wait3A_70, %dma_wait3A_71] : memref<2x200x32xf32, #tpu.memory_space<vmem>> -> memref<1x72x32xf32, #tpu.memory_space<vmem>>
      %dma_wait3A_73 = tpu.memref_squeeze %dma_wait3A_72 : memref<1x72x32xf32, #tpu.memory_space<vmem>> -> memref<72x32xf32, #tpu.memory_space<vmem>>
      %dma_wait3A_74 = tpu.memref_slice %arg5[%add3A_60] : memref<25600xi32, #tpu.memory_space<vmem>> -> memref<72xi32, #tpu.memory_space<vmem>>
      %dma_wait3A_75 = arith.constant 0 : i32
      %dma_wait3A_76 = arith.constant 0 : i32
      %dma_wait3A_77 = tpu.memref_slice %arg3[%dma_wait3A_75, %dma_wait3A_76] : memref<1048576x32xf32, #tpu.memory_space<hbm>> -> memref<1048576x32xf32, #tpu.memory_space<hbm>>
      tpu.wait_indirect_dma semaphore(%arg8 : memref<!tpu.dma_semaphore, #tpu.memory_space<semaphore_mem>>) src(%dma_wait3A_77 : memref<1048576x32xf32, #tpu.memory_space<hbm>>) dst(%dma_wait3A_73 : memref<72x32xf32, #tpu.memory_space<vmem>>)
      %scan3A_78 = arith.constant 0 : i32
      %scan3A_79 = arith.constant 25 : i32
      %scan3A_80 = arith.addi %scan3A_78, %scan3A_79 : i32
      %scan3A_81 = arith.constant 1 : i32
      %scan3A_82:4 = scf.for %scan3A_144 = %scan3A_78 to %scan3A_80 step %scan3A_81 iter_args(%scan3A_145 = %broadcast_in_dim3A_44, %scan3A_146 = %broadcast_in_dim3A_44, %scan3A_147 = %broadcast_in_dim3A_44, %scan3A_148 = %broadcast_in_dim3A_44) -> (vector<16xf32>, vector<16xf32>, vector<16xf32>, vector<16xf32>)  : i32 {
        %mul3A_149 = arith.constant 8 : i32
        %mul3A_150 = arith.muli %scan3A_144, %mul3A_149 : i32
        %add3A_151 = arith.constant 0 : i32
        %add3A_152 = arith.addi %mul3A_150, %add3A_151 : i32
        %get3A = arith.constant 0 : i32
        %get3A_153 = arith.index_cast %get3A : i32 to index
        %get3A_154 = arith.index_cast %add3A_152 : i32 to index
        %get3A_155 = arith.constant 0 : index
        %get3A_156 = tpu.vector_load %arg6[%get3A_153, %get3A_154, %get3A_155] {strides = array<i32>} : memref<2x200x32xf32, #tpu.memory_space<vmem>>, vector<16xf32>,
        %get3A_157 = arith.constant 0 : i32
        %get3A_158 = arith.index_cast %get3A_157 : i32 to index
        %get3A_159 = arith.index_cast %add3A_152 : i32 to index
        %get3A_160 = arith.constant 16 : index
        %get3A_161 = tpu.vector_load %arg6[%get3A_158, %get3A_159, %get3A_160] {strides = array<i32>} : memref<2x200x32xf32, #tpu.memory_space<vmem>>, vector<16xf32>,
        %add3A_162 = arith.addf %scan3A_145, %get3A_156 : vector<16xf32>
        %add3A_163 = arith.addf %scan3A_146, %get3A_161 : vector<16xf32>
        %mul3A_164 = arith.constant 8 : i32
        %mul3A_165 = arith.muli %scan3A_144, %mul3A_164 : i32
        %add3A_166 = arith.constant 1 : i32
        %add3A_167 = arith.addi %mul3A_165, %add3A_166 : i32
        %get3A_168 = arith.constant 0 : i32
        %get3A_169 = arith.index_cast %get3A_168 : i32 to index
        %get3A_170 = arith.index_cast %add3A_167 : i32 to index
        %get3A_171 = arith.constant 0 : index
        %get3A_172 = tpu.vector_load %arg6[%get3A_169, %get3A_170, %get3A_171] {strides = array<i32>} : memref<2x200x32xf32, #tpu.memory_space<vmem>>, vector<16xf32>,
        %get3A_173 = arith.constant 0 : i32
        %get3A_174 = arith.index_cast %get3A_173 : i32 to index
        %get3A_175 = arith.index_cast %add3A_167 : i32 to index
        %get3A_176 = arith.constant 16 : index
        %get3A_177 = tpu.vector_load %arg6[%get3A_174, %get3A_175, %get3A_176] {strides = array<i32>} : memref<2x200x32xf32, #tpu.memory_space<vmem>>, vector<16xf32>,
        %add3A_178 = arith.addf %scan3A_147, %get3A_172 : vector<16xf32>
        %add3A_179 = arith.addf %scan3A_148, %get3A_177 : vector<16xf32>
        %mul3A_180 = arith.constant 8 : i32
        %mul3A_181 = arith.muli %scan3A_144, %mul3A_180 : i32
        %add3A_182 = arith.constant 2 : i32
        %add3A_183 = arith.addi %mul3A_181, %add3A_182 : i32
        %get3A_184 = arith.constant 0 : i32
        %get3A_185 = arith.index_cast %get3A_184 : i32 to index
        %get3A_186 = arith.index_cast %add3A_183 : i32 to index
        %get3A_187 = arith.constant 0 : index
        %get3A_188 = tpu.vector_load %arg6[%get3A_185, %get3A_186, %get3A_187] {strides = array<i32>} : memref<2x200x32xf32, #tpu.memory_space<vmem>>, vector<16xf32>,
        %get3A_189 = arith.constant 0 : i32
        %get3A_190 = arith.index_cast %get3A_189 : i32 to index
        %get3A_191 = arith.index_cast %add3A_183 : i32 to index
        %get3A_192 = arith.constant 16 : index
        %get3A_193 = tpu.vector_load %arg6[%get3A_190, %get3A_191, %get3A_192] {strides = array<i32>} : memref<2x200x32xf32, #tpu.memory_space<vmem>>, vector<16xf32>,
        %add3A_194 = arith.addf %add3A_162, %get3A_188 : vector<16xf32>
        %add3A_195 = arith.addf %add3A_163, %get3A_193 : vector<16xf32>
        %mul3A_196 = arith.constant 8 : i32
        %mul3A_197 = arith.muli %scan3A_144, %mul3A_196 : i32
        %add3A_198 = arith.constant 3 : i32
        %add3A_199 = arith.addi %mul3A_197, %add3A_198 : i32
        %get3A_200 = arith.constant 0 : i32
        %get3A_201 = arith.index_cast %get3A_200 : i32 to index
        %get3A_202 = arith.index_cast %add3A_199 : i32 to index
        %get3A_203 = arith.constant 0 : index
        %get3A_204 = tpu.vector_load %arg6[%get3A_201, %get3A_202, %get3A_203] {strides = array<i32>} : memref<2x200x32xf32, #tpu.memory_space<vmem>>, vector<16xf32>,
        %get3A_205 = arith.constant 0 : i32
        %get3A_206 = arith.index_cast %get3A_205 : i32 to index
        %get3A_207 = arith.index_cast %add3A_199 : i32 to index
        %get3A_208 = arith.constant 16 : index
        %get3A_209 = tpu.vector_load %arg6[%get3A_206, %get3A_207, %get3A_208] {strides = array<i32>} : memref<2x200x32xf32, #tpu.memory_space<vmem>>, vector<16xf32>,
        %add3A_210 = arith.addf %add3A_178, %get3A_204 : vector<16xf32>
        %add3A_211 = arith.addf %add3A_179, %get3A_209 : vector<16xf32>
        %mul3A_212 = arith.constant 8 : i32
        %mul3A_213 = arith.muli %scan3A_144, %mul3A_212 : i32
        %add3A_214 = arith.constant 4 : i32
        %add3A_215 = arith.addi %mul3A_213, %add3A_214 : i32
        %get3A_216 = arith.constant 0 : i32
        %get3A_217 = arith.index_cast %get3A_216 : i32 to index
        %get3A_218 = arith.index_cast %add3A_215 : i32 to index
        %get3A_219 = arith.constant 0 : index
        %get3A_220 = tpu.vector_load %arg6[%get3A_217, %get3A_218, %get3A_219] {strides = array<i32>} : memref<2x200x32xf32, #tpu.memory_space<vmem>>, vector<16xf32>,
        %get3A_221 = arith.constant 0 : i32
        %get3A_222 = arith.index_cast %get3A_221 : i32 to index
        %get3A_223 = arith.index_cast %add3A_215 : i32 to index
        %get3A_224 = arith.constant 16 : index
        %get3A_225 = tpu.vector_load %arg6[%get3A_222, %get3A_223, %get3A_224] {strides = array<i32>} : memref<2x200x32xf32, #tpu.memory_space<vmem>>, vector<16xf32>,
        %add3A_226 = arith.addf %add3A_194, %get3A_220 : vector<16xf32>
        %add3A_227 = arith.addf %add3A_195, %get3A_225 : vector<16xf32>
        %mul3A_228 = arith.constant 8 : i32
        %mul3A_229 = arith.muli %scan3A_144, %mul3A_228 : i32
        %add3A_230 = arith.constant 5 : i32
        %add3A_231 = arith.addi %mul3A_229, %add3A_230 : i32
        %get3A_232 = arith.constant 0 : i32
        %get3A_233 = arith.index_cast %get3A_232 : i32 to index
        %get3A_234 = arith.index_cast %add3A_231 : i32 to index
        %get3A_235 = arith.constant 0 : index
        %get3A_236 = tpu.vector_load %arg6[%get3A_233, %get3A_234, %get3A_235] {strides = array<i32>} : memref<2x200x32xf32, #tpu.memory_space<vmem>>, vector<16xf32>,
        %get3A_237 = arith.constant 0 : i32
        %get3A_238 = arith.index_cast %get3A_237 : i32 to index
        %get3A_239 = arith.index_cast %add3A_231 : i32 to index
        %get3A_240 = arith.constant 16 : index
        %get3A_241 = tpu.vector_load %arg6[%get3A_238, %get3A_239, %get3A_240] {strides = array<i32>} : memref<2x200x32xf32, #tpu.memory_space<vmem>>, vector<16xf32>,
        %add3A_242 = arith.addf %add3A_210, %get3A_236 : vector<16xf32>
        %add3A_243 = arith.addf %add3A_211, %get3A_241 : vector<16xf32>
        %mul3A_244 = arith.constant 8 : i32
        %mul3A_245 = arith.muli %scan3A_144, %mul3A_244 : i32
        %add3A_246 = arith.constant 6 : i32
        %add3A_247 = arith.addi %mul3A_245, %add3A_246 : i32
        %get3A_248 = arith.constant 0 : i32
        %get3A_249 = arith.index_cast %get3A_248 : i32 to index
        %get3A_250 = arith.index_cast %add3A_247 : i32 to index
        %get3A_251 = arith.constant 0 : index
        %get3A_252 = tpu.vector_load %arg6[%get3A_249, %get3A_250, %get3A_251] {strides = array<i32>} : memref<2x200x32xf32, #tpu.memory_space<vmem>>, vector<16xf32>,
        %get3A_253 = arith.constant 0 : i32
        %get3A_254 = arith.index_cast %get3A_253 : i32 to index
        %get3A_255 = arith.index_cast %add3A_247 : i32 to index
        %get3A_256 = arith.constant 16 : index
        %get3A_257 = tpu.vector_load %arg6[%get3A_254, %get3A_255, %get3A_256] {strides = array<i32>} : memref<2x200x32xf32, #tpu.memory_space<vmem>>, vector<16xf32>,
        %add3A_258 = arith.addf %add3A_226, %get3A_252 : vector<16xf32>
        %add3A_259 = arith.addf %add3A_227, %get3A_257 : vector<16xf32>
        %mul3A_260 = arith.constant 8 : i32
        %mul3A_261 = arith.muli %scan3A_144, %mul3A_260 : i32
        %add3A_262 = arith.constant 7 : i32
        %add3A_263 = arith.addi %mul3A_261, %add3A_262 : i32
        %get3A_264 = arith.constant 0 : i32
        %get3A_265 = arith.index_cast %get3A_264 : i32 to index
        %get3A_266 = arith.index_cast %add3A_263 : i32 to index
        %get3A_267 = arith.constant 0 : index
        %get3A_268 = tpu.vector_load %arg6[%get3A_265, %get3A_266, %get3A_267] {strides = array<i32>} : memref<2x200x32xf32, #tpu.memory_space<vmem>>, vector<16xf32>,
        %get3A_269 = arith.constant 0 : i32
        %get3A_270 = arith.index_cast %get3A_269 : i32 to index
        %get3A_271 = arith.index_cast %add3A_263 : i32 to index
        %get3A_272 = arith.constant 16 : index
        %get3A_273 = tpu.vector_load %arg6[%get3A_270, %get3A_271, %get3A_272] {strides = array<i32>} : memref<2x200x32xf32, #tpu.memory_space<vmem>>, vector<16xf32>,
        %add3A_274 = arith.addf %add3A_242, %get3A_268 : vector<16xf32>
        %add3A_275 = arith.addf %add3A_243, %get3A_273 : vector<16xf32>
        scf.yield %add3A_258, %add3A_259, %add3A_274, %add3A_275 : vector<16xf32>, vector<16xf32>, vector<16xf32>, vector<16xf32>
      }
      %scan3A_83 = arith.constant 25 : i32
      %add3A_84 = arith.constant 2 : i32
      %add3A_85 = arith.addi %add3A_54, %add3A_84 : i32
      %lt3A = arith.constant 128 : i32
      %lt3A_86 = arith.cmpi slt, %add3A_85, %lt3A : i32
      %convert_element_type3A = arith.extui %lt3A_86 : i1 to i32
      %cond3A = arith.constant 0 : i32
      %cond3A_87 = arith.cmpi ne, %convert_element_type3A, %cond3A : i32
      scf.if %cond3A_87 {
        %add3A_144 = arith.constant 2 : i32
        %add3A_145 = arith.addi %add3A_54, %add3A_144 : i32
        %mul3A_146 = arith.constant 200 : i32
        %mul3A_147 = arith.muli %add3A_145, %mul3A_146 : i32
        %mul3A_148 = arith.constant 200 : i32
        %mul3A_149 = arith.muli %add3A_145, %mul3A_148 : i32
        %add3A_150 = arith.constant 128 : i32
        %add3A_151 = arith.addi %mul3A_149, %add3A_150 : i32
        %dma_start3A_152 = arith.constant 0 : i32
        %dma_start3A_153 = arith.constant 0 : i32
        %dma_start3A_154 = arith.constant 0 : i32
        %dma_start3A_155 = tpu.memref_slice %arg6[%dma_start3A_152, %dma_start3A_153, %dma_start3A_154] : memref<2x200x32xf32, #tpu.memory_space<vmem>> -> memref<1x128x32xf32, #tpu.memory_space<vmem>>
        %dma_start3A_156 = tpu.memref_squeeze %dma_start3A_155 : memref<1x128x32xf32, #tpu.memory_space<vmem>> -> memref<128x32xf32, #tpu.memory_space<vmem>>
        %dma_start3A_157 = tpu.memref_slice %arg5[%mul3A_147] : memref<25600xi32, #tpu.memory_space<vmem>> -> memref<128xi32, #tpu.memory_space<vmem>>
        %dma_start3A_158 = arith.constant 0 : i32
        %dma_start3A_159 = arith.constant 0 : i32
        %dma_start3A_160 = tpu.memref_slice %arg3[%dma_start3A_158, %dma_start3A_159] : memref<1048576x32xf32, #tpu.memory_space<hbm>> -> memref<1048576x32xf32, #tpu.memory_space<hbm>>
        tpu.enqueue_indirect_dma source(%dma_start3A_160 : memref<1048576x32xf32, #tpu.memory_space<hbm>>) target(%dma_start3A_156 : memref<128x32xf32, #tpu.memory_space<vmem>>) offsets(%dma_start3A_157 : memref<128xi32, #tpu.memory_space<vmem>>) semaphore(%arg8 : memref<!tpu.dma_semaphore, #tpu.memory_space<semaphore_mem>>)
        %dma_start3A_161 = arith.constant 0 : i32
        %dma_start3A_162 = arith.constant 128 : i32
        %dma_start3A_163 = arith.constant 0 : i32
        %dma_start3A_164 = tpu.memref_slice %arg6[%dma_start3A_161, %dma_start3A_162, %dma_start3A_163] : memref<2x200x32xf32, #tpu.memory_space<vmem>> -> memref<1x72x32xf32, #tpu.memory_space<vmem>>
        %dma_start3A_165 = tpu.memref_squeeze %dma_start3A_164 : memref<1x72x32xf32, #tpu.memory_space<vmem>> -> memref<72x32xf32, #tpu.memory_space<vmem>>
        %dma_start3A_166 = tpu.memref_slice %arg5[%add3A_151] : memref<25600xi32, #tpu.memory_space<vmem>> -> memref<72xi32, #tpu.memory_space<vmem>>
        %dma_start3A_167 = arith.constant 0 : i32
        %dma_start3A_168 = arith.constant 0 : i32
        %dma_start3A_169 = tpu.memref_slice %arg3[%dma_start3A_167, %dma_start3A_168] : memref<1048576x32xf32, #tpu.memory_space<hbm>> -> memref<1048576x32xf32, #tpu.memory_space<hbm>>
        tpu.enqueue_indirect_dma source(%dma_start3A_169 : memref<1048576x32xf32, #tpu.memory_space<hbm>>) target(%dma_start3A_165 : memref<72x32xf32, #tpu.memory_space<vmem>>) offsets(%dma_start3A_166 : memref<72xi32, #tpu.memory_space<vmem>>) semaphore(%arg8 : memref<!tpu.dma_semaphore, #tpu.memory_space<semaphore_mem>>)
      } else {
      }
      %add3A_88 = arith.addf %scan3A_82#0, %scan3A_82#2 : vector<16xf32>
      %swap3A = arith.index_cast %add3A_54 : i32 to index
      %swap3A_89 = arith.constant 0 : index
      %swap3A_90 = tpu.vector_load %arg7[%swap3A, %swap3A_89] {strides = array<i32>} : memref<128x32xf32, #tpu.memory_space<vmem>>, vector<16xf32>,
      tpu.vector_store %arg7[%swap3A, %swap3A_89], %add3A_88 {strides = array<i32>} : memref<128x32xf32, #tpu.memory_space<vmem>>, vector<16xf32>,
      %add3A_91 = arith.addf %scan3A_82#1, %scan3A_82#3 : vector<16xf32>
      %swap3A_92 = arith.index_cast %add3A_54 : i32 to index
      %swap3A_93 = arith.constant 16 : index
      %swap3A_94 = tpu.vector_load %arg7[%swap3A_92, %swap3A_93] {strides = array<i32>} : memref<128x32xf32, #tpu.memory_space<vmem>>, vector<16xf32>,
      tpu.vector_store %arg7[%swap3A_92, %swap3A_93], %add3A_91 {strides = array<i32>} : memref<128x32xf32, #tpu.memory_space<vmem>>, vector<16xf32>,
      %mul3A_95 = arith.constant 2 : i32
      %mul3A_96 = arith.muli %scan3A_50, %mul3A_95 : i32
      %add3A_97 = arith.constant 1 : i32
      %add3A_98 = arith.addi %mul3A_96, %add3A_97 : i32
      %mul3A_99 = arith.constant 200 : i32
      %mul3A_100 = arith.muli %add3A_98, %mul3A_99 : i32
      %mul3A_101 = arith.constant 200 : i32
      %mul3A_102 = arith.muli %add3A_98, %mul3A_101 : i32
      %add3A_103 = arith.constant 128 : i32
      %add3A_104 = arith.addi %mul3A_102, %add3A_103 : i32
      %dma_wait3A_105 = arith.constant 1 : i32
      %dma_wait3A_106 = arith.constant 0 : i32
      %dma_wait3A_107 = arith.constant 0 : i32
      %dma_wait3A_108 = tpu.memref_slice %arg6[%dma_wait3A_105, %dma_wait3A_106, %dma_wait3A_107] : memref<2x200x32xf32, #tpu.memory_space<vmem>> -> memref<1x128x32xf32, #tpu.memory_space<vmem>>
      %dma_wait3A_109 = tpu.memref_squeeze %dma_wait3A_108 : memref<1x128x32xf32, #tpu.memory_space<vmem>> -> memref<128x32xf32, #tpu.memory_space<vmem>>
      %dma_wait3A_110 = tpu.memref_slice %arg5[%mul3A_100] : memref<25600xi32, #tpu.memory_space<vmem>> -> memref<128xi32, #tpu.memory_space<vmem>>
      %dma_wait3A_111 = arith.constant 0 : i32
      %dma_wait3A_112 = arith.constant 0 : i32
      %dma_wait3A_113 = tpu.memref_slice %arg3[%dma_wait3A_111, %dma_wait3A_112] : memref<1048576x32xf32, #tpu.memory_space<hbm>> -> memref<1048576x32xf32, #tpu.memory_space<hbm>>
      tpu.wait_indirect_dma semaphore(%arg9 : memref<!tpu.dma_semaphore, #tpu.memory_space<semaphore_mem>>) src(%dma_wait3A_113 : memref<1048576x32xf32, #tpu.memory_space<hbm>>) dst(%dma_wait3A_109 : memref<128x32xf32, #tpu.memory_space<vmem>>)
      %dma_wait3A_114 = arith.constant 1 : i32
      %dma_wait3A_115 = arith.constant 128 : i32
      %dma_wait3A_116 = arith.constant 0 : i32
      %dma_wait3A_117 = tpu.memref_slice %arg6[%dma_wait3A_114, %dma_wait3A_115, %dma_wait3A_116] : memref<2x200x32xf32, #tpu.memory_space<vmem>> -> memref<1x72x32xf32, #tpu.memory_space<vmem>>
      %dma_wait3A_118 = tpu.memref_squeeze %dma_wait3A_117 : memref<1x72x32xf32, #tpu.memory_space<vmem>> -> memref<72x32xf32, #tpu.memory_space<vmem>>
      %dma_wait3A_119 = tpu.memref_slice %arg5[%add3A_104] : memref<25600xi32, #tpu.memory_space<vmem>> -> memref<72xi32, #tpu.memory_space<vmem>>
      %dma_wait3A_120 = arith.constant 0 : i32
      %dma_wait3A_121 = arith.constant 0 : i32
      %dma_wait3A_122 = tpu.memref_slice %arg3[%dma_wait3A_120, %dma_wait3A_121] : memref<1048576x32xf32, #tpu.memory_space<hbm>> -> memref<1048576x32xf32, #tpu.memory_space<hbm>>
      tpu.wait_indirect_dma semaphore(%arg9 : memref<!tpu.dma_semaphore, #tpu.memory_space<semaphore_mem>>) src(%dma_wait3A_122 : memref<1048576x32xf32, #tpu.memory_space<hbm>>) dst(%dma_wait3A_118 : memref<72x32xf32, #tpu.memory_space<vmem>>)
      %scan3A_123 = arith.constant 0 : i32
      %scan3A_124 = arith.constant 25 : i32
      %scan3A_125 = arith.addi %scan3A_123, %scan3A_124 : i32
      %scan3A_126 = arith.constant 1 : i32
      %scan3A_127:4 = scf.for %scan3A_144 = %scan3A_123 to %scan3A_125 step %scan3A_126 iter_args(%scan3A_145 = %broadcast_in_dim3A_44, %scan3A_146 = %broadcast_in_dim3A_44, %scan3A_147 = %broadcast_in_dim3A_44, %scan3A_148 = %broadcast_in_dim3A_44) -> (vector<16xf32>, vector<16xf32>, vector<16xf32>, vector<16xf32>)  : i32 {
        %mul3A_149 = arith.constant 8 : i32
        %mul3A_150 = arith.muli %scan3A_144, %mul3A_149 : i32
        %add3A_151 = arith.constant 0 : i32
        %add3A_152 = arith.addi %mul3A_150, %add3A_151 : i32
        %get3A = arith.constant 1 : i32
        %get3A_153 = arith.index_cast %get3A : i32 to index
        %get3A_154 = arith.index_cast %add3A_152 : i32 to index
        %get3A_155 = arith.constant 0 : index
        %get3A_156 = tpu.vector_load %arg6[%get3A_153, %get3A_154, %get3A_155] {strides = array<i32>} : memref<2x200x32xf32, #tpu.memory_space<vmem>>, vector<16xf32>,
        %get3A_157 = arith.constant 1 : i32
        %get3A_158 = arith.index_cast %get3A_157 : i32 to index
        %get3A_159 = arith.index_cast %add3A_152 : i32 to index
        %get3A_160 = arith.constant 16 : index
        %get3A_161 = tpu.vector_load %arg6[%get3A_158, %get3A_159, %get3A_160] {strides = array<i32>} : memref<2x200x32xf32, #tpu.memory_space<vmem>>, vector<16xf32>,
        %add3A_162 = arith.addf %scan3A_145, %get3A_156 : vector<16xf32>
        %add3A_163 = arith.addf %scan3A_146, %get3A_161 : vector<16xf32>
        %mul3A_164 = arith.constant 8 : i32
        %mul3A_165 = arith.muli %scan3A_144, %mul3A_164 : i32
        %add3A_166 = arith.constant 1 : i32
        %add3A_167 = arith.addi %mul3A_165, %add3A_166 : i32
        %get3A_168 = arith.constant 1 : i32
        %get3A_169 = arith.index_cast %get3A_168 : i32 to index
        %get3A_170 = arith.index_cast %add3A_167 : i32 to index
        %get3A_171 = arith.constant 0 : index
        %get3A_172 = tpu.vector_load %arg6[%get3A_169, %get3A_170, %get3A_171] {strides = array<i32>} : memref<2x200x32xf32, #tpu.memory_space<vmem>>, vector<16xf32>,
        %get3A_173 = arith.constant 1 : i32
        %get3A_174 = arith.index_cast %get3A_173 : i32 to index
        %get3A_175 = arith.index_cast %add3A_167 : i32 to index
        %get3A_176 = arith.constant 16 : index
        %get3A_177 = tpu.vector_load %arg6[%get3A_174, %get3A_175, %get3A_176] {strides = array<i32>} : memref<2x200x32xf32, #tpu.memory_space<vmem>>, vector<16xf32>,
        %add3A_178 = arith.addf %scan3A_147, %get3A_172 : vector<16xf32>
        %add3A_179 = arith.addf %scan3A_148, %get3A_177 : vector<16xf32>
        %mul3A_180 = arith.constant 8 : i32
        %mul3A_181 = arith.muli %scan3A_144, %mul3A_180 : i32
        %add3A_182 = arith.constant 2 : i32
        %add3A_183 = arith.addi %mul3A_181, %add3A_182 : i32
        %get3A_184 = arith.constant 1 : i32
        %get3A_185 = arith.index_cast %get3A_184 : i32 to index
        %get3A_186 = arith.index_cast %add3A_183 : i32 to index
        %get3A_187 = arith.constant 0 : index
        %get3A_188 = tpu.vector_load %arg6[%get3A_185, %get3A_186, %get3A_187] {strides = array<i32>} : memref<2x200x32xf32, #tpu.memory_space<vmem>>, vector<16xf32>,
        %get3A_189 = arith.constant 1 : i32
        %get3A_190 = arith.index_cast %get3A_189 : i32 to index
        %get3A_191 = arith.index_cast %add3A_183 : i32 to index
        %get3A_192 = arith.constant 16 : index
        %get3A_193 = tpu.vector_load %arg6[%get3A_190, %get3A_191, %get3A_192] {strides = array<i32>} : memref<2x200x32xf32, #tpu.memory_space<vmem>>, vector<16xf32>,
        %add3A_194 = arith.addf %add3A_162, %get3A_188 : vector<16xf32>
        %add3A_195 = arith.addf %add3A_163, %get3A_193 : vector<16xf32>
        %mul3A_196 = arith.constant 8 : i32
        %mul3A_197 = arith.muli %scan3A_144, %mul3A_196 : i32
        %add3A_198 = arith.constant 3 : i32
        %add3A_199 = arith.addi %mul3A_197, %add3A_198 : i32
        %get3A_200 = arith.constant 1 : i32
        %get3A_201 = arith.index_cast %get3A_200 : i32 to index
        %get3A_202 = arith.index_cast %add3A_199 : i32 to index
        %get3A_203 = arith.constant 0 : index
        %get3A_204 = tpu.vector_load %arg6[%get3A_201, %get3A_202, %get3A_203] {strides = array<i32>} : memref<2x200x32xf32, #tpu.memory_space<vmem>>, vector<16xf32>,
        %get3A_205 = arith.constant 1 : i32
        %get3A_206 = arith.index_cast %get3A_205 : i32 to index
        %get3A_207 = arith.index_cast %add3A_199 : i32 to index
        %get3A_208 = arith.constant 16 : index
        %get3A_209 = tpu.vector_load %arg6[%get3A_206, %get3A_207, %get3A_208] {strides = array<i32>} : memref<2x200x32xf32, #tpu.memory_space<vmem>>, vector<16xf32>,
        %add3A_210 = arith.addf %add3A_178, %get3A_204 : vector<16xf32>
        %add3A_211 = arith.addf %add3A_179, %get3A_209 : vector<16xf32>
        %mul3A_212 = arith.constant 8 : i32
        %mul3A_213 = arith.muli %scan3A_144, %mul3A_212 : i32
        %add3A_214 = arith.constant 4 : i32
        %add3A_215 = arith.addi %mul3A_213, %add3A_214 : i32
        %get3A_216 = arith.constant 1 : i32
        %get3A_217 = arith.index_cast %get3A_216 : i32 to index
        %get3A_218 = arith.index_cast %add3A_215 : i32 to index
        %get3A_219 = arith.constant 0 : index
        %get3A_220 = tpu.vector_load %arg6[%get3A_217, %get3A_218, %get3A_219] {strides = array<i32>} : memref<2x200x32xf32, #tpu.memory_space<vmem>>, vector<16xf32>,
        %get3A_221 = arith.constant 1 : i32
        %get3A_222 = arith.index_cast %get3A_221 : i32 to index
        %get3A_223 = arith.index_cast %add3A_215 : i32 to index
        %get3A_224 = arith.constant 16 : index
        %get3A_225 = tpu.vector_load %arg6[%get3A_222, %get3A_223, %get3A_224] {strides = array<i32>} : memref<2x200x32xf32, #tpu.memory_space<vmem>>, vector<16xf32>,
        %add3A_226 = arith.addf %add3A_194, %get3A_220 : vector<16xf32>
        %add3A_227 = arith.addf %add3A_195, %get3A_225 : vector<16xf32>
        %mul3A_228 = arith.constant 8 : i32
        %mul3A_229 = arith.muli %scan3A_144, %mul3A_228 : i32
        %add3A_230 = arith.constant 5 : i32
        %add3A_231 = arith.addi %mul3A_229, %add3A_230 : i32
        %get3A_232 = arith.constant 1 : i32
        %get3A_233 = arith.index_cast %get3A_232 : i32 to index
        %get3A_234 = arith.index_cast %add3A_231 : i32 to index
        %get3A_235 = arith.constant 0 : index
        %get3A_236 = tpu.vector_load %arg6[%get3A_233, %get3A_234, %get3A_235] {strides = array<i32>} : memref<2x200x32xf32, #tpu.memory_space<vmem>>, vector<16xf32>,
        %get3A_237 = arith.constant 1 : i32
        %get3A_238 = arith.index_cast %get3A_237 : i32 to index
        %get3A_239 = arith.index_cast %add3A_231 : i32 to index
        %get3A_240 = arith.constant 16 : index
        %get3A_241 = tpu.vector_load %arg6[%get3A_238, %get3A_239, %get3A_240] {strides = array<i32>} : memref<2x200x32xf32, #tpu.memory_space<vmem>>, vector<16xf32>,
        %add3A_242 = arith.addf %add3A_210, %get3A_236 : vector<16xf32>
        %add3A_243 = arith.addf %add3A_211, %get3A_241 : vector<16xf32>
        %mul3A_244 = arith.constant 8 : i32
        %mul3A_245 = arith.muli %scan3A_144, %mul3A_244 : i32
        %add3A_246 = arith.constant 6 : i32
        %add3A_247 = arith.addi %mul3A_245, %add3A_246 : i32
        %get3A_248 = arith.constant 1 : i32
        %get3A_249 = arith.index_cast %get3A_248 : i32 to index
        %get3A_250 = arith.index_cast %add3A_247 : i32 to index
        %get3A_251 = arith.constant 0 : index
        %get3A_252 = tpu.vector_load %arg6[%get3A_249, %get3A_250, %get3A_251] {strides = array<i32>} : memref<2x200x32xf32, #tpu.memory_space<vmem>>, vector<16xf32>,
        %get3A_253 = arith.constant 1 : i32
        %get3A_254 = arith.index_cast %get3A_253 : i32 to index
        %get3A_255 = arith.index_cast %add3A_247 : i32 to index
        %get3A_256 = arith.constant 16 : index
        %get3A_257 = tpu.vector_load %arg6[%get3A_254, %get3A_255, %get3A_256] {strides = array<i32>} : memref<2x200x32xf32, #tpu.memory_space<vmem>>, vector<16xf32>,
        %add3A_258 = arith.addf %add3A_226, %get3A_252 : vector<16xf32>
        %add3A_259 = arith.addf %add3A_227, %get3A_257 : vector<16xf32>
        %mul3A_260 = arith.constant 8 : i32
        %mul3A_261 = arith.muli %scan3A_144, %mul3A_260 : i32
        %add3A_262 = arith.constant 7 : i32
        %add3A_263 = arith.addi %mul3A_261, %add3A_262 : i32
        %get3A_264 = arith.constant 1 : i32
        %get3A_265 = arith.index_cast %get3A_264 : i32 to index
        %get3A_266 = arith.index_cast %add3A_263 : i32 to index
        %get3A_267 = arith.constant 0 : index
        %get3A_268 = tpu.vector_load %arg6[%get3A_265, %get3A_266, %get3A_267] {strides = array<i32>} : memref<2x200x32xf32, #tpu.memory_space<vmem>>, vector<16xf32>,
        %get3A_269 = arith.constant 1 : i32
        %get3A_270 = arith.index_cast %get3A_269 : i32 to index
        %get3A_271 = arith.index_cast %add3A_263 : i32 to index
        %get3A_272 = arith.constant 16 : index
        %get3A_273 = tpu.vector_load %arg6[%get3A_270, %get3A_271, %get3A_272] {strides = array<i32>} : memref<2x200x32xf32, #tpu.memory_space<vmem>>, vector<16xf32>,
        %add3A_274 = arith.addf %add3A_242, %get3A_268 : vector<16xf32>
        %add3A_275 = arith.addf %add3A_243, %get3A_273 : vector<16xf32>
        scf.yield %add3A_258, %add3A_259, %add3A_274, %add3A_275 : vector<16xf32>, vector<16xf32>, vector<16xf32>, vector<16xf32>
      }
      %scan3A_128 = arith.constant 25 : i32
      %add3A_129 = arith.constant 2 : i32
      %add3A_130 = arith.addi %add3A_98, %add3A_129 : i32
      %lt3A_131 = arith.constant 128 : i32
      %lt3A_132 = arith.cmpi slt, %add3A_130, %lt3A_131 : i32
      %convert_element_type3A_133 = arith.extui %lt3A_132 : i1 to i32
      %cond3A_134 = arith.constant 0 : i32
      %cond3A_135 = arith.cmpi ne, %convert_element_type3A_133, %cond3A_134 : i32
      scf.if %cond3A_135 {
        %add3A_144 = arith.constant 2 : i32
        %add3A_145 = arith.addi %add3A_98, %add3A_144 : i32
        %mul3A_146 = arith.constant 200 : i32
        %mul3A_147 = arith.muli %add3A_145, %mul3A_146 : i32
        %mul3A_148 = arith.constant 200 : i32
        %mul3A_149 = arith.muli %add3A_145, %mul3A_148 : i32
        %add3A_150 = arith.constant 128 : i32
        %add3A_151 = arith.addi %mul3A_149, %add3A_150 : i32
        %dma_start3A_152 = arith.constant 1 : i32
        %dma_start3A_153 = arith.constant 0 : i32
        %dma_start3A_154 = arith.constant 0 : i32
        %dma_start3A_155 = tpu.memref_slice %arg6[%dma_start3A_152, %dma_start3A_153, %dma_start3A_154] : memref<2x200x32xf32, #tpu.memory_space<vmem>> -> memref<1x128x32xf32, #tpu.memory_space<vmem>>
        %dma_start3A_156 = tpu.memref_squeeze %dma_start3A_155 : memref<1x128x32xf32, #tpu.memory_space<vmem>> -> memref<128x32xf32, #tpu.memory_space<vmem>>
        %dma_start3A_157 = tpu.memref_slice %arg5[%mul3A_147] : memref<25600xi32, #tpu.memory_space<vmem>> -> memref<128xi32, #tpu.memory_space<vmem>>
        %dma_start3A_158 = arith.constant 0 : i32
        %dma_start3A_159 = arith.constant 0 : i32
        %dma_start3A_160 = tpu.memref_slice %arg3[%dma_start3A_158, %dma_start3A_159] : memref<1048576x32xf32, #tpu.memory_space<hbm>> -> memref<1048576x32xf32, #tpu.memory_space<hbm>>
        tpu.enqueue_indirect_dma source(%dma_start3A_160 : memref<1048576x32xf32, #tpu.memory_space<hbm>>) target(%dma_start3A_156 : memref<128x32xf32, #tpu.memory_space<vmem>>) offsets(%dma_start3A_157 : memref<128xi32, #tpu.memory_space<vmem>>) semaphore(%arg9 : memref<!tpu.dma_semaphore, #tpu.memory_space<semaphore_mem>>)
        %dma_start3A_161 = arith.constant 1 : i32
        %dma_start3A_162 = arith.constant 128 : i32
        %dma_start3A_163 = arith.constant 0 : i32
        %dma_start3A_164 = tpu.memref_slice %arg6[%dma_start3A_161, %dma_start3A_162, %dma_start3A_163] : memref<2x200x32xf32, #tpu.memory_space<vmem>> -> memref<1x72x32xf32, #tpu.memory_space<vmem>>
        %dma_start3A_165 = tpu.memref_squeeze %dma_start3A_164 : memref<1x72x32xf32, #tpu.memory_space<vmem>> -> memref<72x32xf32, #tpu.memory_space<vmem>>
        %dma_start3A_166 = tpu.memref_slice %arg5[%add3A_151] : memref<25600xi32, #tpu.memory_space<vmem>> -> memref<72xi32, #tpu.memory_space<vmem>>
        %dma_start3A_167 = arith.constant 0 : i32
        %dma_start3A_168 = arith.constant 0 : i32
        %dma_start3A_169 = tpu.memref_slice %arg3[%dma_start3A_167, %dma_start3A_168] : memref<1048576x32xf32, #tpu.memory_space<hbm>> -> memref<1048576x32xf32, #tpu.memory_space<hbm>>
        tpu.enqueue_indirect_dma source(%dma_start3A_169 : memref<1048576x32xf32, #tpu.memory_space<hbm>>) target(%dma_start3A_165 : memref<72x32xf32, #tpu.memory_space<vmem>>) offsets(%dma_start3A_166 : memref<72xi32, #tpu.memory_space<vmem>>) semaphore(%arg9 : memref<!tpu.dma_semaphore, #tpu.memory_space<semaphore_mem>>)
      } else {
      }
      %add3A_136 = arith.addf %scan3A_127#0, %scan3A_127#2 : vector<16xf32>
      %swap3A_137 = arith.index_cast %add3A_98 : i32 to index
      %swap3A_138 = arith.constant 0 : index
      %swap3A_139 = tpu.vector_load %arg7[%swap3A_137, %swap3A_138] {strides = array<i32>} : memref<128x32xf32, #tpu.memory_space<vmem>>, vector<16xf32>,
      tpu.vector_store %arg7[%swap3A_137, %swap3A_138], %add3A_136 {strides = array<i32>} : memref<128x32xf32, #tpu.memory_space<vmem>>, vector<16xf32>,
      %add3A_140 = arith.addf %scan3A_127#1, %scan3A_127#3 : vector<16xf32>
      %swap3A_141 = arith.index_cast %add3A_98 : i32 to index
      %swap3A_142 = arith.constant 16 : index
      %swap3A_143 = tpu.vector_load %arg7[%swap3A_141, %swap3A_142] {strides = array<i32>} : memref<128x32xf32, #tpu.memory_space<vmem>>, vector<16xf32>,
      tpu.vector_store %arg7[%swap3A_141, %swap3A_142], %add3A_140 {strides = array<i32>} : memref<128x32xf32, #tpu.memory_space<vmem>>, vector<16xf32>,
    }
    %scan3A_49 = arith.constant 64 : i32
    "tpu.region"() ({
      %run_scoped3A = tpu.sem_alloc : memref<!tpu.dma_semaphore, #tpu.memory_space<semaphore_mem>>
      %dma_start3A_50 = arith.constant 0 : i32
      %dma_start3A_51 = tpu.memref_slice %arg4[%mul3A_2, %dma_start3A_50] : memref<4096x32xf32, #tpu.memory_space<hbm>> -> memref<128x32xf32, #tpu.memory_space<hbm>>
      %dma_start3A_52 = arith.constant 0 : i32
      %dma_start3A_53 = tpu.memref_slice %arg4[%mul3A_2, %dma_start3A_52] : memref<4096x32xf32, #tpu.memory_space<hbm>> -> memref<128x32xf32, #tpu.memory_space<hbm>>
      tpu.enqueue_dma source(%arg7 : memref<128x32xf32, #tpu.memory_space<vmem>>) target(%dma_start3A_53 : memref<128x32xf32, #tpu.memory_space<hbm>>) target_semaphore(%run_scoped3A : memref<!tpu.dma_semaphore, #tpu.memory_space<semaphore_mem>>)
      %dma_wait3A = arith.constant 0 : i32
      %dma_wait3A_54 = tpu.memref_slice %arg4[%mul3A_2, %dma_wait3A] : memref<4096x32xf32, #tpu.memory_space<hbm>> -> memref<128x32xf32, #tpu.memory_space<hbm>>
      %dma_wait3A_55 = arith.constant 0 : i32
      %dma_wait3A_56 = tpu.memref_slice %arg4[%mul3A_2, %dma_wait3A_55] : memref<4096x32xf32, #tpu.memory_space<hbm>> -> memref<128x32xf32, #tpu.memory_space<hbm>>
      tpu.wait_dma2 semaphore(%run_scoped3A : memref<!tpu.dma_semaphore, #tpu.memory_space<semaphore_mem>>) src(%arg7 : memref<128x32xf32, #tpu.memory_space<vmem>>) dst(%dma_wait3A_56 : memref<128x32xf32, #tpu.memory_space<hbm>>)
      tpu.yield
    }) : () -> ()
    return
  }
}

module attributes {stable_mosaic.version = 14 : i64} {
  func.func @_format_body(%arg0: i32, %arg1: memref<32x8192xf32, #tpu.memory_space<vmem>>, %arg2: memref<32x8192xf32, #tpu.memory_space<vmem>>, %arg3: memref<32x8192xf32, #tpu.memory_space<vmem>>, %arg4: memref<32x8192xf32, #tpu.memory_space<vmem>>, %arg5: memref<8192x128xf32, #tpu.memory_space<vmem>>) attributes {dimension_semantics = [#tpu.dimension_semantics<arbitrary>], iteration_bounds = array<i64: 32>, scalar_prefetch = 0 : i64, scratch_operands = 0 : i64, tpu.core_type = #tpu.core_type<tc>, window_params = [{transform_indices = @transform_0, window_bounds = array<i64: 32, 8192>}, {transform_indices = @transform_1, window_bounds = array<i64: 32, 8192>}, {transform_indices = @transform_2, window_bounds = array<i64: 32, 8192>}, {transform_indices = @transform_3, window_bounds = array<i64: 32, 8192>}, {transform_indices = @transform_4, window_bounds = array<i64: 8192, 128>}]} {
    %get3A = arith.constant 0 : index
    %get3A_0 = arith.constant 0 : index
    %get3A_1 = vector.load %arg1[%get3A, %get3A_0] : memref<32x8192xf32, #tpu.memory_space<vmem>>, vector<32x8192xf32>
    %get3A_2 = arith.constant 0 : index
    %get3A_3 = arith.constant 0 : index
    %get3A_4 = vector.load %arg2[%get3A_2, %get3A_3] : memref<32x8192xf32, #tpu.memory_space<vmem>>, vector<32x8192xf32>
    %get3A_5 = arith.constant 0 : index
    %get3A_6 = arith.constant 0 : index
    %get3A_7 = vector.load %arg3[%get3A_5, %get3A_6] : memref<32x8192xf32, #tpu.memory_space<vmem>>, vector<32x8192xf32>
    %get3A_8 = arith.constant 0 : index
    %get3A_9 = arith.constant 0 : index
    %get3A_10 = vector.load %arg4[%get3A_8, %get3A_9] : memref<32x8192xf32, #tpu.memory_space<vmem>>, vector<32x8192xf32>
    %concatenate3A = tpu.concatenate %get3A_1, %get3A_4, %get3A_7, %get3A_10 in 0 : vector<32x8192xf32>, vector<32x8192xf32>, vector<32x8192xf32>, vector<32x8192xf32> -> vector<128x8192xf32>
    %transpose3A = tpu.transpose %concatenate3A, [1, 0] : vector<128x8192xf32> -> vector<8192x128xf32>
    %swap3A = arith.constant 0 : index
    %swap3A_11 = arith.constant 0 : index
    %swap3A_12 = vector.load %arg5[%swap3A, %swap3A_11] : memref<8192x128xf32, #tpu.memory_space<vmem>>, vector<8192x128xf32>
    tpu.vector_store %arg5[%swap3A, %swap3A_11], %transpose3A {strides = array<i32>} : memref<8192x128xf32, #tpu.memory_space<vmem>>, vector<8192x128xf32>,
    return
  }
  func.func @transform_0(%arg0: i32) -> (i32, i32) {
    %add3A = arith.constant 0 : i32
    %add3A_0 = arith.addi %add3A, %arg0 : i32
    %min3A = arith.constant 122 : i32
    %min3A_1 = arith.minsi %add3A_0, %min3A : i32
    %c0_i32 = arith.constant 0 : i32
    %c0_i32_2 = arith.constant 0 : i32
    return %c0_i32, %min3A_1 : i32, i32
  }
  func.func @transform_1(%arg0: i32) -> (i32, i32) {
    %add3A = arith.constant 32 : i32
    %add3A_0 = arith.addi %add3A, %arg0 : i32
    %min3A = arith.constant 122 : i32
    %min3A_1 = arith.minsi %add3A_0, %min3A : i32
    %c0_i32 = arith.constant 0 : i32
    %c0_i32_2 = arith.constant 0 : i32
    return %c0_i32, %min3A_1 : i32, i32
  }
  func.func @transform_2(%arg0: i32) -> (i32, i32) {
    %add3A = arith.constant 64 : i32
    %add3A_0 = arith.addi %add3A, %arg0 : i32
    %min3A = arith.constant 122 : i32
    %min3A_1 = arith.minsi %add3A_0, %min3A : i32
    %c0_i32 = arith.constant 0 : i32
    %c0_i32_2 = arith.constant 0 : i32
    return %c0_i32, %min3A_1 : i32, i32
  }
  func.func @transform_3(%arg0: i32) -> (i32, i32) {
    %add3A = arith.constant 96 : i32
    %add3A_0 = arith.addi %add3A, %arg0 : i32
    %min3A = arith.constant 122 : i32
    %min3A_1 = arith.minsi %add3A_0, %min3A : i32
    %c0_i32 = arith.constant 0 : i32
    %c0_i32_2 = arith.constant 0 : i32
    return %c0_i32, %min3A_1 : i32, i32
  }
  func.func @transform_4(%arg0: i32) -> (i32, i32) {
    %c0_i32 = arith.constant 0 : i32
    %c0_i32_0 = arith.constant 0 : i32
    return %arg0, %c0_i32 : i32, i32
  }
}

module attributes {stable_mosaic.version = 14 : i64} {
  func.func @_head_body(%arg0: i32, %arg1: memref<1024x32xf32, #tpu.memory_space<vmem>>, %arg2: memref<32x10xf32, #tpu.memory_space<vmem>>, %arg3: memref<1x10xf32, #tpu.memory_space<vmem>>, %arg4: memref<1024x10xf32, #tpu.memory_space<vmem>>) attributes {dimension_semantics = [#tpu.dimension_semantics<arbitrary>], iteration_bounds = array<i64: 4>, scalar_prefetch = 0 : i64, scratch_operands = 0 : i64, tpu.core_type = #tpu.core_type<tc>, window_params = [{transform_indices = @transform_0, window_bounds = array<i64: 1024, 32>}, {pipeline_mode = #tpu.pipeline_mode<synchronous>, transform_indices = @transform_1, window_bounds = array<i64: 32, 10>}, {pipeline_mode = #tpu.pipeline_mode<synchronous>, transform_indices = @transform_2, window_bounds = array<i64: 1, 10>}, {transform_indices = @transform_3, window_bounds = array<i64: 1024, 10>}]} {
    %get3A = arith.constant 0 : index
    %get3A_0 = arith.constant 0 : index
    %get3A_1 = vector.load %arg1[%get3A, %get3A_0] : memref<1024x32xf32, #tpu.memory_space<vmem>>, vector<1024x32xf32>
    %get3A_2 = arith.constant 0 : index
    %get3A_3 = arith.constant 0 : index
    %get3A_4 = vector.load %arg2[%get3A_2, %get3A_3] : memref<32x10xf32, #tpu.memory_space<vmem>>, vector<32x10xf32>
    %dot_general3A = arith.constant dense<0.000000e+00> : vector<1024x10xf32>
    %dot_general3A_5 = tpu.matmul %get3A_1, %get3A_4, %dot_general3A {dimension_numbers = #tpu.dot_dimension_numbers<[1], [0], [0], [1], [0, 0, 1, 1], [], []>, transpose_lhs_hint = false} : vector<1024x32xf32>, vector<32x10xf32>, vector<1024x10xf32> -> vector<1024x10xf32>
    %get3A_6 = arith.constant 0 : index
    %get3A_7 = arith.constant 0 : index
    %get3A_8 = vector.load %arg3[%get3A_6, %get3A_7] : memref<1x10xf32, #tpu.memory_space<vmem>>, vector<1x10xf32>
    %add3A = vector.broadcast %get3A_8 : vector<1x10xf32> to vector<1024x10xf32>
    %add3A_9 = arith.addf %dot_general3A_5, %add3A : vector<1024x10xf32>
    %swap3A = arith.constant 0 : index
    %swap3A_10 = arith.constant 0 : index
    %swap3A_11 = vector.load %arg4[%swap3A, %swap3A_10] : memref<1024x10xf32, #tpu.memory_space<vmem>>, vector<1024x10xf32>
    tpu.vector_store %arg4[%swap3A, %swap3A_10], %add3A_9 {strides = array<i32>} : memref<1024x10xf32, #tpu.memory_space<vmem>>, vector<1024x10xf32>,
    return
  }
  func.func @transform_0(%arg0: i32) -> (i32, i32) {
    %c0_i32 = arith.constant 0 : i32
    %c0_i32_0 = arith.constant 0 : i32
    return %arg0, %c0_i32 : i32, i32
  }
  func.func @transform_1(%arg0: i32) -> (i32, i32) {
    %c0_i32 = arith.constant 0 : i32
    %c0_i32_0 = arith.constant 0 : i32
    %c0_i32_1 = arith.constant 0 : i32
    return %c0_i32, %c0_i32_0 : i32, i32
  }
  func.func @transform_2(%arg0: i32) -> (i32, i32) {
    %c0_i32 = arith.constant 0 : i32
    %c0_i32_0 = arith.constant 0 : i32
    %c0_i32_1 = arith.constant 0 : i32
    return %c0_i32, %c0_i32_0 : i32, i32
  }
  func.func @transform_3(%arg0: i32) -> (i32, i32) {
    %c0_i32 = arith.constant 0 : i32
    %c0_i32_0 = arith.constant 0 : i32
    return %arg0, %c0_i32 : i32, i32
  }
}

</mosaic_0001>

<sc_bundles>
// kernel: kernel.5.cloned.1.call-start
scs
__scs_entry_jumppad:
0x0: {  	(pc) =	sbr.rel $0x88, $3  }
0x1: {  	(tag) =	ssettag $0x0;
	lr =	simm.s32 $0x1  }
0x2: {  	[smem:$0x3F9D] =	sst lr;
	_ =	strace $0xD0000000  }
0x3: {  	_ = 	snop  }
0x4: {  	_ = 	snop  }
0x5: {  	_ = 	snop  }
0x6: {  	_ = 	snop  }
0x7: {  	_ = 	snop  }
__scs_overlays_trampoline_lowered:
0x8: {  	[smem:$0x3FAC] =	sst s0  }
0x9: {  	[smem:$0x3FAD] =	sst s1  }
0xa: {  	[smem:$0x3FAE] =	sst s2  }
0xb: {  	[smem:$0x3FAF] =	sst s3  }
0xc: {  	[smem:$0x3FB0] =	sst s4  }
0xd: {  	[smem:$0x3FB1] =	sst s5  }
0xe: {  	[smem:$0x3FB2] =	sst s6  }
0xf: {  	[smem:$0x3FB3] =	sst s7  }
0x10: {  	[smem:$0x3FB4] =	sst s8  }
0x11: {  	[smem:$0x3FB5] =	sst s9;
	s0 =	simm.s32 @!p0 $0x0  }
0x12: {  	s1 =	sld [smem:$0x3F9B];
	s0 =	simm.s32 @p0 $0x1  }
0x13: {  	[smem:$0x3FB6] =	sst s0;
	s0 =	simm.s32 @!p1 $0x0  }
0x14: {  	s2 =	sld [smem:$0x3F9A];
	s0 =	simm.s32 @p1 $0x1  }
0x15: {  	[smem:$0x3FB7] =	sst s0;
	s0 =	simm.s32 @!p2 $0x0  }
0x16: {  	s3 =	sld [smem:$0x3FDB];
	s0 =	simm.s32 @p2 $0x1  }
0x17: {  	s4 =	simm.s32 $0x1BF5;
	[smem:$0x3FB9] =	sst s0  }
0x18: {  	s0 =	sld [smem:$0x3F9C];
	_ =	swait.ge [sflag:s4], $0x0  }
0x19: {  	s7 =	sld [smem:$0x3F9D]  }
0x1a: {  	s8 =	sadd.s32 $0xFFFFE003, lr  }
0x1b: {  	s9 =	sadd.s32 $0xFFFFFEF7, lr;
	s5 =	simm.s32 $0xFFFFFFFF;
	p2 =	slt.u32 s8, $0xFFFFF086  }
0x1c: {  	p1 =	slt.u32 s9, $0xF7A;
	s5 =	simm.s32 @!p2 $0x0  }
0x1d: {  	s5 =	simm.s32 @p1 $0x1;
	p0 =	seq.s32 s7, s2  }
0x1e: {  	s7 =	smul.u32 @!p0 $0xF7A, s2;
	p2 =	seq.s32 @!p0 s5, $0x0  }
0x1f: {  	s9 =	smul.u32 $0xF7A, s1;
	s8 =	simm.s32 @!p0 $0x1BF5;
	p2 =	por !p2, p0  }
0x20: {  	[sflag:s8] =	ssyncset.s32 @!p0 $0xFFFFF086;
	s6 =	sadd.s32 @!p0 s3, s7;
	s7 =	simm.s32 @!p0 $0x108  }
0x21: {  	s3 =	sadd.s32 s3, s9;
	s6 =	sadd.s32 @!p0 $0x88, s6;
	s7 =	simm.s32 @p2 $0x1082  }
0x22: {  	[simem:s7], [sflag:s8] =	dma.local @!p0 [hbm:s6], $0xF7A  }
0x23: {  	s9 =	sor.u32 $0xD0000000, s2;
	s6 =	simm.s32 $0x108;
	_ =	swait.ge @!p0 [sflag:s8], $0x0  }
0x24: {  	s3 =	sadd.s32 $0x88, s3;
	s6 =	simm.s32 @!p1 $0x1082;
	[sflag:s4] =	ssyncset.s32 $0xFFFFF086  }
0x25: {  	[simem:s6], [sflag:s4] =	dma.local [hbm:s3], $0xF7A  }
0x26: {  	[smem:$0x3F9D] =	sst s1;
	(tag) =	ssettag s2;
	_ =	strace s9  }
0x27: {  	s1 =	sld [smem:$0x3FAD]  }
0x28: {  	s2 =	sld [smem:$0x3FAE]  }
0x29: {  	s4 =	sld [smem:$0x3FB0]  }
0x2a: {  	p0 =	seq.s32 s5, $0x0;
	s5 =	sld [smem:$0x3FB1]  }
0x2b: {  	s6 =	sld [smem:$0x3FB2]  }
0x2c: {  	s7 =	sld [smem:$0x3FB3]  }
0x2d: {  	s3 =	simm.s32 $0x108;
	s8 =	sld [smem:$0x3FB4]  }
0x2e: {  	s3 =	simm.s32 @!p0 $0x1082;
	s9 =	sld [smem:$0x3FB5]  }
0x2f: {  	lr =	sadd.s32 s0, s3;
	s0 =	sld [smem:$0x3FAC]  }
0x30: {  	s3 =	sld [smem:$0x3FAF]  }
0x31: {  	[smem:$0x3FB8] =	sst s10  }
0x32: {  	s10 =	sld [smem:$0x3FB6];
	_ =	sdelay $0x3  }
0x33: {  	p0 =	seq.s32 s10, $0x1;
	s10 =	sld [smem:$0x3FB8];
	_ =	sdelay $0x3  }
0x34: {  	[smem:$0x3FB8] =	sst s10  }
0x35: {  	s10 =	sld [smem:$0x3FB7];
	_ =	sdelay $0x3  }
0x36: {  	p1 =	seq.s32 s10, $0x1;
	s10 =	sld [smem:$0x3FB8];
	_ =	sdelay $0x3  }
0x37: {  	[smem:$0x3FB8] =	sst s10  }
0x38: {  	s10 =	sld [smem:$0x3FB9]  }
0x39: {  	_ = 	snop;
	(pc) =	sbr.ind lr, $3  }
0x3a: {  	_ = 	snop  }
0x3b: {  	_ = 	snop  }
0x3c: {  	p2 =	seq.s32 s10, $0x1;
	s10 =	sld [smem:$0x3FB8]  }
0x3d: {  	_ =	shalt  }
0x3e: {  	_ =	shalt  }
0x3f: {  	_ =	shalt  }
0x40: {  	_ =	shalt  }
0x41: {  	_ =	shalt  }
0x42: {  	_ =	shalt  }
0x43: {  	_ =	shalt  }
0x44: {  	_ =	shalt  }
0x45: {  	_ =	shalt  }
0x46: {  	_ =	shalt  }
0x47: {  	_ =	shalt  }
0x48: {  	_ =	shalt  }
0x49: {  	_ =	shalt  }
0x4a: {  	_ =	shalt  }
0x4b: {  	_ =	shalt  }
0x4c: {  	_ =	shalt  }
0x4d: {  	_ =	shalt  }
0x4e: {  	_ =	shalt  }
0x4f: {  	_ =	shalt  }
0x50: {  	_ =	shalt  }
0x51: {  	_ =	shalt  }
0x52: {  	_ =	shalt  }
0x53: {  	_ =	shalt  }
0x54: {  	_ =	shalt  }
0x55: {  	_ =	shalt  }
0x56: {  	_ =	shalt  }
0x57: {  	_ =	shalt  }
0x58: {  	_ =	shalt  }
0x59: {  	_ =	shalt  }
0x5a: {  	_ =	shalt  }
0x5b: {  	_ =	shalt  }
0x5c: {  	_ =	shalt  }
0x5d: {  	_ =	shalt  }
0x5e: {  	_ =	shalt  }
0x5f: {  	_ =	shalt  }
0x60: {  	_ =	shalt  }
0x61: {  	_ =	shalt  }
0x62: {  	_ =	shalt  }
0x63: {  	_ =	shalt  }
0x64: {  	_ =	shalt  }
0x65: {  	_ =	shalt  }
0x66: {  	_ =	shalt  }
0x67: {  	_ =	shalt  }
0x68: {  	_ =	shalt  }
0x69: {  	_ =	shalt  }
0x6a: {  	_ =	shalt  }
0x6b: {  	_ =	shalt  }
0x6c: {  	_ =	shalt  }
0x6d: {  	_ =	shalt  }
0x6e: {  	_ =	shalt  }
0x6f: {  	_ =	shalt  }
0x70: {  	_ =	shalt  }
0x71: {  	_ =	shalt  }
0x72: {  	_ =	shalt  }
0x73: {  	_ =	shalt  }
0x74: {  	_ =	shalt  }
0x75: {  	_ =	shalt  }
0x76: {  	_ =	shalt  }
0x77: {  	_ =	shalt  }
0x78: {  	_ =	shalt  }
0x79: {  	_ =	shalt  }
0x7a: {  	_ =	shalt  }
0x7b: {  	_ =	shalt  }
0x7c: {  	_ =	shalt  }
0x7d: {  	_ =	shalt  }
0x7e: {  	_ =	shalt  }
0x7f: {  	_ =	shalt  }
0x80: {  	_ =	shalt  }
0x81: {  	_ =	shalt  }
0x82: {  	_ =	shalt  }
0x83: {  	_ =	shalt  }
0x84: {  	_ =	shalt  }
0x85: {  	_ =	shalt  }
0x86: {  	_ =	shalt  }
0x87: {  	_ =	shalt  }
.Lfunc_end0:
.L_simem_size_0:
called_computation_lowered:
.L_overlay_start_0:
0x88: {  	s2 =	sld [smem:$0x3FD9]  }
0x89: {  	s3 =	sld [smem:$0x3FFE];
	_ =	sdelay $0x1  }
0x8a: {  	s1 =	srdreg.scid  }
0x8b: {  	s0 =	sand.u32 $0x1, s1  }
0x8c: {  	s16 =	sshll.u32 s0, $0xA;
	s2 =	sadd.s32 s3, s2  }
0x8d: {  	s2 =	sadd.s32 s2, s16  }
0x8e: {  	[smem:$0x3FC4] =	sst s2  }
0x8f: {  	_ = 	snop  }
0x90: {  	(tm) =	ssettm $0x1  }
0x91: {  	s17 =	sld [smem:$0x3FFB];
	_ =	sdelay $0x3  }
0x92: {  	_ =	strace s17  }
0x93: {  	s2 =	sld [smem:$0x3FFC];
	_ =	sdelay $0x3  }
0x94: {  	_ =	strace s2  }
0x95: {  	s2 =	sld [smem:$0x3FFD];
	_ =	sdelay $0x3  }
0x96: {  	_ =	strace s2  }
0x97: {  	_ =	strace $0x8FFFFFFF  }
0x98: {  	s18 =	sld [smem:$0x3FDB];
	_ =	sdelay $0x1  }
0x99: {  	s19 =	simm.s32 $_scs_section_size  }
0x9a: {  	s4 =	simm.s32 $_size__tile_overlayer_lowered;
	s5 =	simm.s32 $_tile_overlayer_lowered  }
0x9b: {  	s22 =	simm.s32 $0x1BFF;
	s21 =	sshll.u32 s5, $0x1;
	s2 =	sadd.s32 s19, s18  }
0x9c: {  	s6 =	simm.s32 $0x0;
	s20 =	sshll.u32 s4, $0x1;
	s4 =	sadd.s32 s21, s2  }
0x9d: {  	[timem:s6], [sflag:s22] =	dma.local [hbm:s4], s20  }
0x9e: {  	_ =	swait.ge [sflag:s22], s20  }
0x9f: {  	s3 =	ssub.s32 $0x0, s20;
	[sflag:s22] =	ssyncset.done $0x0  }
0xa0: {  	[sflag:s22] =	ssyncadd.s32 s3;
	_ =	sdelay $0x1  }
0xa1: {  	s23 =	simm.s32 $0x1B8B  }
0xa2: {  	_ =	swait.ge [sflag:s23], $0x1  }
0xa3: {  	[sflag:s23] =	ssyncset.done $0x0  }
0xa4: {  	s25 =	simm.s32 $0x1B8E;
	s24 =	sld [smem:$0x3FFE];
	[sflag:s23] =	ssyncadd.s32 $0xFFFFFFFF  }
0xa5: {  	s26 =	simm.s32 $execute0_lowered;
	[smem:$0x3FD2] =	sst s25  }
0xa6: {  	s4 =	sshll.u32 s26, $0x1;
	_ =	strace $0x80000046;
	[dreg:$0x1] =	wrdreg $0xFFFFFFFF  }
0xa7: {  	s28 =	simm.s32 $_size_execute0_lowered;
	s2 =	sadd.s32 s2, s4;
	[dreg:$0x0] =	wrdreg $0x0  }
0xa8: {  	s4 =	sshll.u32 s28, $0x1;
	[dreg:$0x2] =	wrdreg s2  }
0xa9: {  	[dreg:$0x3] =	wrdreg s4  }
0xaa: {  	[dreg:$0x4] =	wrdreg $0xC0  }
0xab: {  	_ =	task [dreg:s6], $0x5FFFF  }
0xac: {  	[dreg:$0x1] =	wrdreg $0xFFFFFFFF  }
0xad: {  	[dreg:$0x0] =	wrdreg $0x60  }
0xae: {  	[dreg:$0x2] =	wrdreg s24  }
0xaf: {  	[dreg:$0x3] =	wrdreg $0x9  }
0xb0: {  	_ =	task.clear_ibuf [dreg:s6], $0x4FFFF;
	_ =	strace $0x90000046  }
0xb1: {  	s29 =	simm.s32 $0x9;
	_ =	strace $0x80000048  }
0xb2: {  	_ =	swait.ge [sflag:s29], $0x1  }
0xb3: {  	[sflag:s29] =	ssyncadd.s32 $0xFFFFFFFF  }
0xb4: {  	_ =	strace $0x90000048  }
0xb5: {  	_ =	sfence  }
0xb6: {  	s30 =	sld [smem:$0x0];
	_ =	sdelay $0x2  }
0xb7: {  	s31 =	sshll.u32 s1, $0xD;
	s1 =	sshrl.u32 s1, $0x2  }
0xb8: {  	s3 =	sand.u32 $0x4000, s31;
	s1 =	sadd.s32 s1, s30  }
0xb9: {  	s0 =	sor.u32 s3, s0;
	s1 =	sshll.u32 s1, $0x11  }
0xba: {  	s0 =	sor.u32 s1, s0  }
0xbb: {  	s0 =	sadd.s32 $0x8F2B, s0  }
0xbc: {  	[sflag:s0] =	ssyncadd.remote.s32 $0x1  }
0xbd: {  	_ =	sfence.sel $0xFFFF  }
0xbe: {  	[dreg:$0x0] =	wrdreg $0xFFFFFFFF;
	(pc) =	sbr.abs _section_cstart, $3  }
0xbf: {  	[dreg:$0x1] =	wrdreg $0xFFFFFFFF  }
0xc0: {  	_ =	task.clear_ibuf [dreg:s6], $0x2FFFF;
	_ =	strace $0x9FFFFFFF  }
0xc1: {  	(tm) =	ssettm $0x7FFFFFFF  }
tec
execute0_lowered:
.L_overlay_start_1:
0x0: {  	(tag) =	ssettag $0x1  }
0x1: {  	s1 =	srdreg.scid;
	s0 =	stileid.u32  }
0x2: {  	s4 =	rddreg [dreg:$0x0];
	s2 =	simm.s32 $0x0;
	s9 =	simm.s32 $0x6400  }
0x3: {  	s10 =	simm.s32 $0x48;
	s11 =	simm.s32 $0x7400;
	s12 =	simm.s32 $0xC8  }
0x4: {  	s13 =	simm.s32 $0x7D00;
	s14 =	simm.s32 $0x148;
	s15 =	simm.s32 $0x8D00  }
0x5: {  	s16 =	simm.s32 $0x1;
	s17 =	simm.s32 $0x2;
	s18 =	simm.s32 $0x9600  }
0x6: {  	s3 =	sand.u32 $0x1, s1;
	s31 =	sshll.u32 s0, $0x1;
	s1 =	rddreg [dreg:$0x1]  }
0x7: {  	s19 =	simm.s32 $0x0;
	[smem:$0x7FF] =	sst s2;
	s5 =	sor.u32 s3, s31  }
.Ltmp0:
0x8: {  	_ =	strace $0x80000047;
	s7 =	ssub.s32 $0x2, s3;
	(pc) =	sbr.rel .LBB2_1-.Ltmp0, $4  }
0x9: {  	s6 =	smul.u32 $0xC80, s5;
	s5 =	sshll.u32 s5, $0x9;
	s8 =	sshrl.u32 s7, $0x1  }
0xa: {  	s3 =	sadd.s32 $0x19800, s4;
	s5 =	sadd.s32 s5, s4;
	s7 =	ssub.s32 s7, s8  }
0xb: {  	s8 =	simm.s32 $0x80;
	s6 =	sadd.s32 s6, s4;
	s5 =	sadd.s32 $0x419800, s5  }
0xc: {  	s4 =	sadd.s32 $0x800, s6;
	s6 =	smax.u32 s7, $0x1;
	s7 =	simm.s32 $0x3  }
.LBB2_8:
0xd: {  	s19 =	sadd.s32 $0x1, s19  }
0xe: {  	[tilespmem:s21+$0x9620] =	vst v1;
	p0 =	sne.s32 s19, s6  }
.Ltmp1:
0xf: {  	[tilespmem:s21+$0x9630] =	vst v0;
	(pc) =	sbr.rel @!p0 .LBB2_9-.Ltmp1, $4  }
0x10: {  	[hbm4b:s5+s2] =	stream.linear.scatter [tilespmem:s18], [sflag:$0x3], $0x1000, $0x38;
	[tilespmem:$0xA600] =	vst v63  }
0x11: {  	_ =	swait.ge [sflag:s7], $0x1000  }
0x12: {  	[sflag:s7] =	ssyncset.done $0x0  }
0x13: {  	[sflag:s7] =	ssyncadd.s32 $0xFFFFF000  }
.LBB2_1:
0x14: {  	[tilespmem:s2], [sflag:$0x3] =	stream.linear.gather [hbm4b:s4+s2], $0x6400, $0x38;
	[tilespmem:$0xA600] =	vst v63  }
0x15: {  	_ =	swait.ge [sflag:s7], $0x6400  }
0x16: {  	[sflag:s7] =	ssyncset.done $0x0  }
0x17: {  	[sflag:s7] =	ssyncadd.s32 $0xFFFF9C00  }
0x18: {  	[tilespmem:s9], [sflag:$0x1] =	stream.indirect.gather [hbm4b:s3+s8], $0x20, s2, s8, $0xb8;
	[tilespmem:$0xA600] =	vst v63  }
0x19: {  	_ = 	snop  }
0x1a: {  	[tilespmem:s11], [sflag:$0x1] =	stream.indirect.gather [hbm4b:s3+s10], $0x20, s8, s10, $0xb8;
	[tilespmem:$0xA600] =	vst v63  }
0x1b: {  	_ = 	snop  }
0x1c: {  	[tilespmem:s13], [sflag:$0x2] =	stream.indirect.gather [hbm4b:s3+s8], $0x20, s12, s8, $0xb8;
	[tilespmem:$0xA600] =	vst v63  }
0x1d: {  	s20 =	simm.s32 $0x0  }
0x1e: {  	[tilespmem:s15], [sflag:$0x2] =	stream.indirect.gather [hbm4b:s3+s10], $0x20, s14, s10, $0xb8;
	[tilespmem:$0xA600] =	vst v63  }
.LBB2_2:
0x1f: {  	_ =	swait.ge [sflag:s16], $0x1000  }
0x20: {  	[sflag:s16] =	ssyncset.done $0x0  }
0x21: {  	[sflag:s16] =	ssyncadd.s32 $0xFFFFF000  }
0x22: {  	_ =	swait.ge [sflag:s16], $0x900  }
0x23: {  	[sflag:s16] =	ssyncset.done $0x0  }
0x24: {  	s21 =	simm.s32 $0x0;
	[sflag:s16] =	ssyncadd.s32 $0xFFFFF700  }
0x25: {  	v1 =	vld [tilespmem:s21+$0x64C0]  }
0x26: {  	v0 =	vld [tilespmem:s21+$0x64D0]  }
0x27: {  	v3 =	vld [tilespmem:s21+$0x6480]  }
0x28: {  	v2 =	vld [tilespmem:s21+$0x6490]  }
0x29: {  	v4 =	vld [tilespmem:s21+$0x6440]  }
0x2a: {  	v5 =	vld [tilespmem:s21+$0x6450]  }
0x2b: {  	v10 =	vld [tilespmem:s21+$0x6400]  }
0x2c: {  	v6 =	vimm.f32 $0.0e+00;
	v11 =	vld [tilespmem:s21+$0x6410]  }
0x2d: {  	s22 =	simm.s32 $0x400;
	v7 =	vimm.f32 $0.0e+00;
	v9 =	vimm.f32 $0.0e+00;
	v8 =	vimm.f32 $0.0e+00;
	v12 =	vld [tilespmem:s21+$0x6420]  }
.LBB2_3:
0x2e: {  	p0 =	sne.s32 s22, $0x6000;
	v13 =	vld [tilespmem:s21+$0x6430]  }
0x2f: {  	v14 =	vld [tilespmem:s21+$0x6460]  }
0x30: {  	v15 =	vld [tilespmem:s21+$0x6470]  }
0x31: {  	v16 =	vld [tilespmem:s21+$0x64A0]  }
0x32: {  	v6 =	vadd.f32 v10, v6;
	v7 =	vadd.f32 v11, v7;
	v10 =	vld [tilespmem:s21+$0x64B0]  }
0x33: {  	v9 =	vadd.f32 v12, v9;
	v8 =	vadd.f32 v13, v8;
	v11 =	vld [tilespmem:s21+$0x64E0]  }
0x34: {  	v4 =	vadd.f32 v4, v6;
	v5 =	vadd.f32 v5, v7;
	v12 =	vld [tilespmem:s21+$0x64F0];
	s21 =	sshra.s32 s22, $0x2  }
0x35: {  	v6 =	vadd.f32 v14, v9;
	v13 =	vld [tilespmem:s21+$0x64C0];
	v7 =	vadd.f32 v15, v8  }
0x36: {  	v4 =	vadd.f32 v3, v4;
	v5 =	vadd.f32 v2, v5;
	v14 =	vld [tilespmem:s21+$0x64D0]  }
0x37: {  	v8 =	vadd.f32 v16, v6;
	v3 =	vld [tilespmem:s21+$0x6480];
	v10 =	vadd.f32 v10, v7  }
0x38: {  	v6 =	vadd.f32 v1, v4;
	v7 =	vadd.f32 v0, v5;
	v2 =	vld [tilespmem:s21+$0x6490]  }
.Ltmp2:
0x39: {  	v9 =	vadd.f32 v11, v8;
	v4 =	vld [tilespmem:s21+$0x6440];
	v8 =	vadd.f32 v12, v10;
	(pc) =	sbr.rel @p0 .LBB2_3-.Ltmp2, $4  }
0x3a: {  	v5 =	vld [tilespmem:s21+$0x6450];
	v1 =	vmov v13  }
0x3b: {  	v10 =	vld [tilespmem:s21+$0x6400];
	v0 =	vmov v14  }
0x3c: {  	v11 =	vld [tilespmem:s21+$0x6410]  }
0x3d: {  	s22 =	sadd.s32 $0x400, s22;
	v12 =	vld [tilespmem:s21+$0x6420]  }
0x3e: {  	v13 =	vld [tilespmem:s21+$0x6430]  }
0x3f: {  	v14 =	vld [tilespmem:s21+$0x6460]  }
0x40: {  	v15 =	vld [tilespmem:s21+$0x6470]  }
0x41: {  	v16 =	vld [tilespmem:s21+$0x64A0]  }
0x42: {  	v6 =	vadd.f32 v10, v6;
	v10 =	vld [tilespmem:s21+$0x64B0];
	v9 =	vadd.f32 v12, v9  }
0x43: {  	p0 =	seq.s32 s20, $0x3F;
	v7 =	vadd.f32 v11, v7;
	v11 =	vld [tilespmem:s21+$0x64E0];
	v8 =	vadd.f32 v13, v8  }
0x44: {  	s22 =	smul.u32 @!p0 $0x640, s20;
	v4 =	vadd.f32 v4, v6;
	v6 =	vld [tilespmem:s21+$0x64F0];
	v9 =	vadd.f32 v14, v9  }
0x45: {  	v5 =	vadd.f32 v5, v7;
	v7 =	vadd.f32 v15, v8  }
0x46: {  	s31 =	sshll.u32 s20, $0x6;
	s21 =	sshra.s32 @!p0 s22, $0x2;
	v3 =	vadd.f32 v3, v4;
	v4 =	vadd.f32 v16, v9  }
0x47: {  	s23 =	simm.s32 @!p0 $0x80;
	s24 =	simm.s32 @!p0 $0x6400;
	s22 =	sadd.s32 @!p0 $0x190, s21;
	v2 =	vadd.f32 v2, v5;
	v5 =	vadd.f32 v10, v7  }
0x48: {  	[tilespmem:s24], [sflag:$0x1] =	stream.indirect.gather @!p0 [hbm4b:s3+s23], $0x20, s22, s23, $0xb8;
	v1 =	vadd.f32 v1, v3;
	v3 =	vadd.f32 v11, v4;
	[tilespmem:$0xA600] =	vst v63  }
0x49: {  	s21 =	sadd.s32 @!p0 $0x210, s21;
	s22 =	simm.s32 @!p0 $0x48;
	s23 =	simm.s32 @!p0 $0x7400;
	v0 =	vadd.f32 v0, v2;
	v2 =	vadd.f32 v6, v5  }
0x4a: {  	[tilespmem:s23], [sflag:$0x1] =	stream.indirect.gather @!p0 [hbm4b:s3+s22], $0x20, s21, s22, $0xb8;
	v1 =	vadd.f32 v3, v1;
	[tilespmem:$0xA600] =	vst v63  }
0x4b: {  	s21 =	sand.u32 $0x3FFFFFC0, s31;
	v0 =	vadd.f32 v2, v0  }
0x4c: {  	[tilespmem:s21+$0x9600] =	vst v1  }
0x4d: {  	[tilespmem:s21+$0x9610] =	vst v0  }
0x4e: {  	_ =	swait.ge [sflag:s17], $0x1000  }
0x4f: {  	[sflag:s17] =	ssyncset.done $0x0  }
0x50: {  	[sflag:s17] =	ssyncadd.s32 $0xFFFFF000  }
0x51: {  	_ =	swait.ge [sflag:s17], $0x900  }
0x52: {  	[sflag:s17] =	ssyncset.done $0x0  }
0x53: {  	s22 =	simm.s32 $0x0;
	[sflag:s17] =	ssyncadd.s32 $0xFFFFF700  }
0x54: {  	v0 =	vld [tilespmem:s22+$0x7DC0]  }
0x55: {  	v2 =	vld [tilespmem:s22+$0x7DD0]  }
0x56: {  	v1 =	vld [tilespmem:s22+$0x7D80]  }
0x57: {  	v3 =	vld [tilespmem:s22+$0x7D90]  }
0x58: {  	v4 =	vld [tilespmem:s22+$0x7D40]  }
0x59: {  	v5 =	vld [tilespmem:s22+$0x7D50]  }
0x5a: {  	v10 =	vld [tilespmem:s22+$0x7D00]  }
0x5b: {  	v8 =	vimm.f32 $0.0e+00;
	v12 =	vld [tilespmem:s22+$0x7D10]  }
0x5c: {  	s23 =	simm.s32 $0x400;
	v9 =	vimm.f32 $0.0e+00;
	v7 =	vimm.f32 $0.0e+00;
	v6 =	vimm.f32 $0.0e+00;
	v11 =	vld [tilespmem:s22+$0x7D20]  }
.LBB2_5:
0x5d: {  	p1 =	sne.s32 s23, $0x6000;
	v13 =	vld [tilespmem:s22+$0x7D30]  }
0x5e: {  	v14 =	vld [tilespmem:s22+$0x7D60]  }
0x5f: {  	v15 =	vld [tilespmem:s22+$0x7D70]  }
0x60: {  	v16 =	vld [tilespmem:s22+$0x7DA0]  }
0x61: {  	v6 =	vadd.f32 v10, v6;
	v9 =	vadd.f32 v12, v9;
	v10 =	vld [tilespmem:s22+$0x7DB0]  }
0x62: {  	v7 =	vadd.f32 v11, v7;
	v8 =	vadd.f32 v13, v8;
	v11 =	vld [tilespmem:s22+$0x7DE0]  }
0x63: {  	v4 =	vadd.f32 v4, v6;
	v5 =	vadd.f32 v5, v9;
	v12 =	vld [tilespmem:s22+$0x7DF0];
	s22 =	sshra.s32 s23, $0x2  }
0x64: {  	v6 =	vadd.f32 v14, v7;
	v13 =	vld [tilespmem:s22+$0x7DC0];
	v7 =	vadd.f32 v15, v8  }
0x65: {  	v4 =	vadd.f32 v1, v4;
	v5 =	vadd.f32 v3, v5;
	v14 =	vld [tilespmem:s22+$0x7DD0]  }
0x66: {  	v8 =	vadd.f32 v16, v6;
	v1 =	vld [tilespmem:s22+$0x7D80];
	v10 =	vadd.f32 v10, v7  }
0x67: {  	v6 =	vadd.f32 v0, v4;
	v9 =	vadd.f32 v2, v5;
	v3 =	vld [tilespmem:s22+$0x7D90]  }
.Ltmp3:
0x68: {  	v7 =	vadd.f32 v11, v8;
	v4 =	vld [tilespmem:s22+$0x7D40];
	v8 =	vadd.f32 v12, v10;
	(pc) =	sbr.rel @p1 .LBB2_5-.Ltmp3, $4  }
0x69: {  	v5 =	vld [tilespmem:s22+$0x7D50];
	v0 =	vmov v13  }
0x6a: {  	v10 =	vld [tilespmem:s22+$0x7D00];
	v2 =	vmov v14  }
0x6b: {  	v12 =	vld [tilespmem:s22+$0x7D10]  }
0x6c: {  	s23 =	sadd.s32 $0x400, s23;
	v11 =	vld [tilespmem:s22+$0x7D20]  }
0x6d: {  	v13 =	vld [tilespmem:s22+$0x7D30]  }
0x6e: {  	v14 =	vld [tilespmem:s22+$0x7D60]  }
0x6f: {  	v15 =	vld [tilespmem:s22+$0x7D70]  }
0x70: {  	v16 =	vld [tilespmem:s22+$0x7DA0]  }
0x71: {  	v59 =	vld [tilespmem:s22+$0x7DB0];
	v6 =	vadd.f32 v10, v6;
	v9 =	vadd.f32 v12, v9  }
0x72: {  	v60 =	vld [tilespmem:s22+$0x7DE0];
	v7 =	vadd.f32 v11, v7;
	v8 =	vadd.f32 v13, v8  }
0x73: {  	v61 =	vld [tilespmem:s22+$0x7DF0];
	v4 =	vadd.f32 v4, v6;
	v5 =	vadd.f32 v5, v9  }
0x74: {  	v7 =	vadd.f32 v14, v7;
	v8 =	vadd.f32 v15, v8  }
0x75: {  	v1 =	vadd.f32 v1, v4;
	v3 =	vadd.f32 v3, v5  }
.Ltmp4:
0x76: {  	v62 =	vadd.f32 v16, v7;
	v63 =	vadd.f32 v59, v8;
	(pc) =	sbr.rel @p0 .LBB2_8-.Ltmp4, $3  }
0x77: {  	v0 =	vadd.f32 v0, v1;
	v2 =	vadd.f32 v2, v3  }
0x78: {  	v1 =	vadd.f32 v60, v62;
	v3 =	vadd.f32 v61, v63;
	_ =	sdelay $0x1  }
0x79: {  	v1 =	vadd.f32 v1, v0;
	v0 =	vadd.f32 v3, v2  }
0x7a: {  	s22 =	smul.u32 $0x640, s20;
	_ =	sdelay $0x1  }
0x7b: {  	s22 =	sshra.s32 s22, $0x2  }
0x7c: {  	s23 =	sadd.s32 $0x258, s22  }
0x7d: {  	[tilespmem:s13], [sflag:$0x2] =	stream.indirect.gather [hbm4b:s3+s8], $0x20, s23, s8, $0xb8;
	[tilespmem:$0xA600] =	vst v63  }
.Ltmp5:
0x7e: {  	_ = 	snop;
	(pc) =	sbr.rel .LBB2_2-.Ltmp5, $4  }
0x7f: {  	s22 =	sadd.s32 $0x2D8, s22  }
0x80: {  	[tilespmem:s15], [sflag:$0x2] =	stream.indirect.gather [hbm4b:s3+s10], $0x20, s22, s10, $0xb8;
	[tilespmem:$0xA600] =	vst v63  }
0x81: {  	[tilespmem:s21+$0x9620] =	vst v1  }
0x82: {  	s20 =	sadd.s32 $0x1, s20;
	[tilespmem:s21+$0x9630] =	vst v0  }
.LBB2_9:
0x83: {  	_ =	sfence.sel $0x180000  }
0x84: {  	[bflag:$0x0] =	sbarrier.arrive $0xFFFF  }
0x85: {  	p0 =	sne.s32 s0, $0x0;
	_ =	strace $0x90000047  }
0x86: {  	s0 =	sadd.s32 @!p0 $0x100000, s1;
	[bflag:$0x2] =	sbarrier.arrive $0xFFFF  }
0x87: {  	[sflag:s0] =	ssyncadd.tile.s32 @!p0 $0x1;
	_ =	shalt  }
.Lfunc_end2:
_tile_overlayer_lowered:
.L_overlay_start_2:
0x88: {  	(tag) =	ssettag $0x2  }
0x89: {  	s0 =	rddreg [dreg:$0x0];
	s2 =	stileid.u32  }
0x8a: {  	s1 =	rddreg [dreg:$0x1];
	p0 =	sne.s32 s2, $0x0  }
0x8b: {  	s3 =	rddreg [dreg:$0x2];
	[bflag:$0x3] =	sbarrier.arrive $0xFFFF;
	s2 =	simm.s32 @!p0 $0x1C03  }
0x8c: {  	[timem:s3], [sflag:s2] =	dma.local @!p0 [hbm:s0], s1  }
0x8d: {  	s0 =	simm.s32 @!p0 $0x3  }
0x8e: {  	_ =	swait.ge @!p0 [sflag:s0], s1  }
0x8f: {  	s1 =	ssub.s32 @!p0 $0x0, s1;
	[sflag:s0] =	ssyncset.done @!p0 $0x0  }
0x90: {  	[sflag:s0] =	ssyncadd.s32 @!p0 s1  }
0x91: {  	[bflag:$0x3] =	sbarrier.arrive $0xFFFF  }
0x92: {  	_ =	shalt  }

</sc_bundles>
